<compile_context>
chip_gen: v7x
topology: tpu7x:2x2x1
jax: 0.10.2.dev20260603
libtpu: 0.0.44.dev20260713+nightly
codegen_flags: <defaults>
</compile_context>

<pallas_src>
import jax
import jax.numpy as jnp
from jax import lax
from jax.experimental import pallas as pl
from jax.experimental.pallas import tpu as pltpu
from jax.experimental.pallas import tpu_sc as plsc

B = 16384
D = 64
NC = 2
NS = 16
NW = NC * NS
BPW = B // NW
CHUNK = 128
NCH = BPW // CHUNK
GROUPS = BPW // 16


def _body(users_hbm, items_hbm, ut_hbm, it_hbm, out_hbm,
          idx_u, idx_i, rows_u, rows_i, out_v, sem_u, sem_i):
    c = lax.axis_index("c")
    s = lax.axis_index("s")
    wid = s * NC + c
    base = wid * BPW

    for ch in range(NCH):
        pltpu.sync_copy(users_hbm.at[pl.ds(base + ch * CHUNK, CHUNK)],
                        idx_u.at[ch])
        pltpu.sync_copy(items_hbm.at[pl.ds(base + ch * CHUNK, CHUNK)],
                        idx_i.at[ch])

    copies = []
    for ch in range(NCH):
        copies.append(pltpu.async_copy(
            ut_hbm.at[idx_u.at[ch]],
            rows_u.at[pl.ds(ch * CHUNK, CHUNK)], sem_u))
        copies.append(pltpu.async_copy(
            it_hbm.at[idx_i.at[ch]],
            rows_i.at[pl.ds(ch * CHUNK, CHUNK)], sem_i))
    for cp in copies:
        cp.wait()

    lanes = lax.iota(jnp.int32, 16)

    def group_body(g, _):
        rows = g * 16 + lanes
        acc = jnp.zeros((16,), jnp.float32)
        for d in range(D):
            col = jnp.full((16,), d, jnp.int32)
            u = plsc.load_gather(rows_u, [rows, col])
            v = plsc.load_gather(rows_i, [rows, col])
            acc = acc + u * v
        out_v[pl.ds(g * 16, 16)] = acc
        return 0

    lax.fori_loop(0, GROUPS, group_body, 0)

    pltpu.sync_copy(out_v, out_hbm.at[pl.ds(base, BPW)])


def kernel(users, items, user_table, item_table):
    mesh = plsc.VectorSubcoreMesh(core_axis_name="c", subcore_axis_name="s")
    fn = pl.kernel(
        _body,
        out_type=jax.ShapeDtypeStruct((B,), jnp.float32),
        mesh=mesh,
        compiler_params=pltpu.CompilerParams(
            needs_layout_passes=False, use_tc_tiling_on_sc=False),
        scratch_types=[
            pltpu.VMEM((NCH, CHUNK), jnp.int32),
            pltpu.VMEM((NCH, CHUNK), jnp.int32),
            pltpu.VMEM((BPW, D), jnp.float32),
            pltpu.VMEM((BPW, D), jnp.float32),
            pltpu.VMEM((BPW,), jnp.float32),
            pltpu.SemaphoreType.DMA,
            pltpu.SemaphoreType.DMA,
        ],
    )
    return fn(users.astype(jnp.int32), items.astype(jnp.int32),
              user_table, item_table)

# --- scband reference (transcript-rebuilt; emitter-appended) ---
"""Pipeline reference for scband-bprmf-42597485642222 (READ-ONLY COPY).

The authoritative reference and input builder live on the scoring server;
editing this copy changes nothing except your own understanding.
"""

import jax, jax.numpy as jnp
import numpy as np

NUM_USERS = 100000
NUM_ITEMS = 100000
EMBED_DIM = 64
BATCH = 16384

def setup_inputs(seed: int = 0) -> dict:
    key = jax.random.key(seed)
    k1, k2, k3, k4 = jax.random.split(key, 4)
    users = jax.random.randint(k1, (BATCH,), 0, NUM_USERS, dtype=jnp.int64 if jax.config.jax_enable_x64 else jnp.int32)
    items = jax.random.randint(k2, (BATCH,), 0, NUM_ITEMS, dtype=jnp.int64 if jax.config.jax_enable_x64 else jnp.int32)
    # nn.Embedding weights init with normal(std=1e-4) per reset_parameters
    user_table = jax.random.normal(k3, (NUM_USERS, EMBED_DIM), dtype=jnp.float32) * 1e-4
    item_table = jax.random.normal(k4, (NUM_ITEMS, EMBED_DIM), dtype=jnp.float32) * 1e-4
    return {"users": users, "items": items, "user_table": user_table, "item_table": item_table}

def reference(users, items, user_table, item_table):
    # BPRMF.predict: elementwise product of user/item embeddings, summed over dim
    userEmbs = jnp.take(user_table, users, axis=0)
    itemEmbs = jnp.take(item_table, items, axis=0)
    return jnp.sum(userEmbs * itemEmbs, axis=-1)

if __name__ == "__main__":
    import jax
    _d = setup_inputs()
    print(jax.jit(kernel)(*tuple(_d.values())))

</pallas_src>

<mosaic_0001>
#map = affine_map<(d0, d1) -> (0)>
#map1 = affine_map<(d0, d1) -> (0, 0)>
module attributes {stable_mosaic.version = 14 : i64} {
  func.func @_body(%arg0: i32, %arg1: i32, %arg2: memref<16384xi32, #tpu.memory_space<hbm>>, %arg3: memref<16384xi32, #tpu.memory_space<hbm>>, %arg4: memref<100000x64xf32, #tpu.memory_space<hbm>>, %arg5: memref<100000x64xf32, #tpu.memory_space<hbm>>, %arg6: memref<16384xf32, #tpu.memory_space<hbm>>, %arg7: memref<4x128xi32, #tpu.memory_space<vmem>>, %arg8: memref<4x128xi32, #tpu.memory_space<vmem>>, %arg9: memref<512x64xf32, #tpu.memory_space<vmem>>, %arg10: memref<512x64xf32, #tpu.memory_space<vmem>>, %arg11: memref<512xf32, #tpu.memory_space<vmem>>, %arg12: memref<!tpu.dma_semaphore, #tpu.memory_space<semaphore_mem>>, %arg13: memref<!tpu.dma_semaphore, #tpu.memory_space<semaphore_mem>>) attributes {dimension_semantics = [#tpu.dimension_semantics<core_parallel>, #tpu.dimension_semantics<subcore_parallel>], iteration_bounds = array<i64: 2, 16>, scalar_prefetch = 0 : i64, scratch_operands = 7 : i64, tpu.core_type = #tpu.core_type<sc_vector_subcore>, window_params = [{transform_indices = #map}, {transform_indices = #map}, {transform_indices = #map1}, {transform_indices = #map1}, {transform_indices = #map}]} {
    %mul3A = arith.constant 2 : i32
    %mul3A_0 = arith.muli %arg1, %mul3A : i32
    %add3A = arith.addi %mul3A_0, %arg0 : i32
    %mul3A_1 = arith.constant 512 : i32
    %mul3A_2 = arith.muli %add3A, %mul3A_1 : i32
    %add3A_3 = arith.constant 0 : i32
    %add3A_4 = arith.addi %mul3A_2, %add3A_3 : i32
    %run_scoped3A = arith.constant 0 : i32
    "tpu.region"() ({
      %run_scoped3A_190 = tpu.sem_alloc : memref<!tpu.dma_semaphore, #tpu.memory_space<semaphore_mem>>
      %dma_start3A_191 = arith.constant 0 : i32
      %dma_start3A_192 = tpu.memref_slice %arg7[%run_scoped3A, %dma_start3A_191] : memref<4x128xi32, #tpu.memory_space<vmem>> -> memref<1x128xi32, #tpu.memory_space<vmem>>
      %dma_start3A_193 = tpu.memref_squeeze %dma_start3A_192 : memref<1x128xi32, #tpu.memory_space<vmem>> -> memref<128xi32, #tpu.memory_space<vmem>>
      %dma_start3A_194 = tpu.memref_slice %arg2[%add3A_4] : memref<16384xi32, #tpu.memory_space<hbm>> -> memref<128xi32, #tpu.memory_space<hbm>>
      %dma_start3A_195 = arith.constant 0 : i32
      %dma_start3A_196 = tpu.memref_slice %arg7[%run_scoped3A, %dma_start3A_195] : memref<4x128xi32, #tpu.memory_space<vmem>> -> memref<1x128xi32, #tpu.memory_space<vmem>>
      %dma_start3A_197 = tpu.memref_squeeze %dma_start3A_196 : memref<1x128xi32, #tpu.memory_space<vmem>> -> memref<128xi32, #tpu.memory_space<vmem>>
      %dma_start3A_198 = tpu.memref_slice %arg2[%add3A_4] : memref<16384xi32, #tpu.memory_space<hbm>> -> memref<128xi32, #tpu.memory_space<hbm>>
      tpu.enqueue_dma source(%dma_start3A_198 : memref<128xi32, #tpu.memory_space<hbm>>) target(%dma_start3A_197 : memref<128xi32, #tpu.memory_space<vmem>>) target_semaphore(%run_scoped3A_190 : memref<!tpu.dma_semaphore, #tpu.memory_space<semaphore_mem>>)
      %dma_wait3A_199 = arith.constant 0 : i32
      %dma_wait3A_200 = tpu.memref_slice %arg7[%run_scoped3A, %dma_wait3A_199] : memref<4x128xi32, #tpu.memory_space<vmem>> -> memref<1x128xi32, #tpu.memory_space<vmem>>
      %dma_wait3A_201 = tpu.memref_squeeze %dma_wait3A_200 : memref<1x128xi32, #tpu.memory_space<vmem>> -> memref<128xi32, #tpu.memory_space<vmem>>
      %dma_wait3A_202 = tpu.memref_slice %arg2[%add3A_4] : memref<16384xi32, #tpu.memory_space<hbm>> -> memref<128xi32, #tpu.memory_space<hbm>>
      %dma_wait3A_203 = arith.constant 0 : i32
      %dma_wait3A_204 = tpu.memref_slice %arg7[%run_scoped3A, %dma_wait3A_203] : memref<4x128xi32, #tpu.memory_space<vmem>> -> memref<1x128xi32, #tpu.memory_space<vmem>>
      %dma_wait3A_205 = tpu.memref_squeeze %dma_wait3A_204 : memref<1x128xi32, #tpu.memory_space<vmem>> -> memref<128xi32, #tpu.memory_space<vmem>>
      %dma_wait3A_206 = tpu.memref_slice %arg2[%add3A_4] : memref<16384xi32, #tpu.memory_space<hbm>> -> memref<128xi32, #tpu.memory_space<hbm>>
      tpu.wait_dma2 semaphore(%run_scoped3A_190 : memref<!tpu.dma_semaphore, #tpu.memory_space<semaphore_mem>>) src(%dma_wait3A_206 : memref<128xi32, #tpu.memory_space<hbm>>) dst(%dma_wait3A_205 : memref<128xi32, #tpu.memory_space<vmem>>)
      tpu.yield
    }) : () -> ()
    %add3A_5 = arith.constant 0 : i32
    %add3A_6 = arith.addi %mul3A_2, %add3A_5 : i32
    %run_scoped3A_7 = arith.constant 0 : i32
    "tpu.region"() ({
      %run_scoped3A_190 = tpu.sem_alloc : memref<!tpu.dma_semaphore, #tpu.memory_space<semaphore_mem>>
      %dma_start3A_191 = arith.constant 0 : i32
      %dma_start3A_192 = tpu.memref_slice %arg8[%run_scoped3A_7, %dma_start3A_191] : memref<4x128xi32, #tpu.memory_space<vmem>> -> memref<1x128xi32, #tpu.memory_space<vmem>>
      %dma_start3A_193 = tpu.memref_squeeze %dma_start3A_192 : memref<1x128xi32, #tpu.memory_space<vmem>> -> memref<128xi32, #tpu.memory_space<vmem>>
      %dma_start3A_194 = tpu.memref_slice %arg3[%add3A_6] : memref<16384xi32, #tpu.memory_space<hbm>> -> memref<128xi32, #tpu.memory_space<hbm>>
      %dma_start3A_195 = arith.constant 0 : i32
      %dma_start3A_196 = tpu.memref_slice %arg8[%run_scoped3A_7, %dma_start3A_195] : memref<4x128xi32, #tpu.memory_space<vmem>> -> memref<1x128xi32, #tpu.memory_space<vmem>>
      %dma_start3A_197 = tpu.memref_squeeze %dma_start3A_196 : memref<1x128xi32, #tpu.memory_space<vmem>> -> memref<128xi32, #tpu.memory_space<vmem>>
      %dma_start3A_198 = tpu.memref_slice %arg3[%add3A_6] : memref<16384xi32, #tpu.memory_space<hbm>> -> memref<128xi32, #tpu.memory_space<hbm>>
      tpu.enqueue_dma source(%dma_start3A_198 : memref<128xi32, #tpu.memory_space<hbm>>) target(%dma_start3A_197 : memref<128xi32, #tpu.memory_space<vmem>>) target_semaphore(%run_scoped3A_190 : memref<!tpu.dma_semaphore, #tpu.memory_space<semaphore_mem>>)
      %dma_wait3A_199 = arith.constant 0 : i32
      %dma_wait3A_200 = tpu.memref_slice %arg8[%run_scoped3A_7, %dma_wait3A_199] : memref<4x128xi32, #tpu.memory_space<vmem>> -> memref<1x128xi32, #tpu.memory_space<vmem>>
      %dma_wait3A_201 = tpu.memref_squeeze %dma_wait3A_200 : memref<1x128xi32, #tpu.memory_space<vmem>> -> memref<128xi32, #tpu.memory_space<vmem>>
      %dma_wait3A_202 = tpu.memref_slice %arg3[%add3A_6] : memref<16384xi32, #tpu.memory_space<hbm>> -> memref<128xi32, #tpu.memory_space<hbm>>
      %dma_wait3A_203 = arith.constant 0 : i32
      %dma_wait3A_204 = tpu.memref_slice %arg8[%run_scoped3A_7, %dma_wait3A_203] : memref<4x128xi32, #tpu.memory_space<vmem>> -> memref<1x128xi32, #tpu.memory_space<vmem>>
      %dma_wait3A_205 = tpu.memref_squeeze %dma_wait3A_204 : memref<1x128xi32, #tpu.memory_space<vmem>> -> memref<128xi32, #tpu.memory_space<vmem>>
      %dma_wait3A_206 = tpu.memref_slice %arg3[%add3A_6] : memref<16384xi32, #tpu.memory_space<hbm>> -> memref<128xi32, #tpu.memory_space<hbm>>
      tpu.wait_dma2 semaphore(%run_scoped3A_190 : memref<!tpu.dma_semaphore, #tpu.memory_space<semaphore_mem>>) src(%dma_wait3A_206 : memref<128xi32, #tpu.memory_space<hbm>>) dst(%dma_wait3A_205 : memref<128xi32, #tpu.memory_space<vmem>>)
      tpu.yield
    }) : () -> ()
    %add3A_8 = arith.constant 128 : i32
    %add3A_9 = arith.addi %mul3A_2, %add3A_8 : i32
    %run_scoped3A_10 = arith.constant 1 : i32
    "tpu.region"() ({
      %run_scoped3A_190 = tpu.sem_alloc : memref<!tpu.dma_semaphore, #tpu.memory_space<semaphore_mem>>
      %dma_start3A_191 = arith.constant 0 : i32
      %dma_start3A_192 = tpu.memref_slice %arg7[%run_scoped3A_10, %dma_start3A_191] : memref<4x128xi32, #tpu.memory_space<vmem>> -> memref<1x128xi32, #tpu.memory_space<vmem>>
      %dma_start3A_193 = tpu.memref_squeeze %dma_start3A_192 : memref<1x128xi32, #tpu.memory_space<vmem>> -> memref<128xi32, #tpu.memory_space<vmem>>
      %dma_start3A_194 = tpu.memref_slice %arg2[%add3A_9] : memref<16384xi32, #tpu.memory_space<hbm>> -> memref<128xi32, #tpu.memory_space<hbm>>
      %dma_start3A_195 = arith.constant 0 : i32
      %dma_start3A_196 = tpu.memref_slice %arg7[%run_scoped3A_10, %dma_start3A_195] : memref<4x128xi32, #tpu.memory_space<vmem>> -> memref<1x128xi32, #tpu.memory_space<vmem>>
      %dma_start3A_197 = tpu.memref_squeeze %dma_start3A_196 : memref<1x128xi32, #tpu.memory_space<vmem>> -> memref<128xi32, #tpu.memory_space<vmem>>
      %dma_start3A_198 = tpu.memref_slice %arg2[%add3A_9] : memref<16384xi32, #tpu.memory_space<hbm>> -> memref<128xi32, #tpu.memory_space<hbm>>
      tpu.enqueue_dma source(%dma_start3A_198 : memref<128xi32, #tpu.memory_space<hbm>>) target(%dma_start3A_197 : memref<128xi32, #tpu.memory_space<vmem>>) target_semaphore(%run_scoped3A_190 : memref<!tpu.dma_semaphore, #tpu.memory_space<semaphore_mem>>)
      %dma_wait3A_199 = arith.constant 0 : i32
      %dma_wait3A_200 = tpu.memref_slice %arg7[%run_scoped3A_10, %dma_wait3A_199] : memref<4x128xi32, #tpu.memory_space<vmem>> -> memref<1x128xi32, #tpu.memory_space<vmem>>
      %dma_wait3A_201 = tpu.memref_squeeze %dma_wait3A_200 : memref<1x128xi32, #tpu.memory_space<vmem>> -> memref<128xi32, #tpu.memory_space<vmem>>
      %dma_wait3A_202 = tpu.memref_slice %arg2[%add3A_9] : memref<16384xi32, #tpu.memory_space<hbm>> -> memref<128xi32, #tpu.memory_space<hbm>>
      %dma_wait3A_203 = arith.constant 0 : i32
      %dma_wait3A_204 = tpu.memref_slice %arg7[%run_scoped3A_10, %dma_wait3A_203] : memref<4x128xi32, #tpu.memory_space<vmem>> -> memref<1x128xi32, #tpu.memory_space<vmem>>
      %dma_wait3A_205 = tpu.memref_squeeze %dma_wait3A_204 : memref<1x128xi32, #tpu.memory_space<vmem>> -> memref<128xi32, #tpu.memory_space<vmem>>
      %dma_wait3A_206 = tpu.memref_slice %arg2[%add3A_9] : memref<16384xi32, #tpu.memory_space<hbm>> -> memref<128xi32, #tpu.memory_space<hbm>>
      tpu.wait_dma2 semaphore(%run_scoped3A_190 : memref<!tpu.dma_semaphore, #tpu.memory_space<semaphore_mem>>) src(%dma_wait3A_206 : memref<128xi32, #tpu.memory_space<hbm>>) dst(%dma_wait3A_205 : memref<128xi32, #tpu.memory_space<vmem>>)
      tpu.yield
    }) : () -> ()
    %add3A_11 = arith.constant 128 : i32
    %add3A_12 = arith.addi %mul3A_2, %add3A_11 : i32
    %run_scoped3A_13 = arith.constant 1 : i32
    "tpu.region"() ({
      %run_scoped3A_190 = tpu.sem_alloc : memref<!tpu.dma_semaphore, #tpu.memory_space<semaphore_mem>>
      %dma_start3A_191 = arith.constant 0 : i32
      %dma_start3A_192 = tpu.memref_slice %arg8[%run_scoped3A_13, %dma_start3A_191] : memref<4x128xi32, #tpu.memory_space<vmem>> -> memref<1x128xi32, #tpu.memory_space<vmem>>
      %dma_start3A_193 = tpu.memref_squeeze %dma_start3A_192 : memref<1x128xi32, #tpu.memory_space<vmem>> -> memref<128xi32, #tpu.memory_space<vmem>>
      %dma_start3A_194 = tpu.memref_slice %arg3[%add3A_12] : memref<16384xi32, #tpu.memory_space<hbm>> -> memref<128xi32, #tpu.memory_space<hbm>>
      %dma_start3A_195 = arith.constant 0 : i32
      %dma_start3A_196 = tpu.memref_slice %arg8[%run_scoped3A_13, %dma_start3A_195] : memref<4x128xi32, #tpu.memory_space<vmem>> -> memref<1x128xi32, #tpu.memory_space<vmem>>
      %dma_start3A_197 = tpu.memref_squeeze %dma_start3A_196 : memref<1x128xi32, #tpu.memory_space<vmem>> -> memref<128xi32, #tpu.memory_space<vmem>>
      %dma_start3A_198 = tpu.memref_slice %arg3[%add3A_12] : memref<16384xi32, #tpu.memory_space<hbm>> -> memref<128xi32, #tpu.memory_space<hbm>>
      tpu.enqueue_dma source(%dma_start3A_198 : memref<128xi32, #tpu.memory_space<hbm>>) target(%dma_start3A_197 : memref<128xi32, #tpu.memory_space<vmem>>) target_semaphore(%run_scoped3A_190 : memref<!tpu.dma_semaphore, #tpu.memory_space<semaphore_mem>>)
      %dma_wait3A_199 = arith.constant 0 : i32
      %dma_wait3A_200 = tpu.memref_slice %arg8[%run_scoped3A_13, %dma_wait3A_199] : memref<4x128xi32, #tpu.memory_space<vmem>> -> memref<1x128xi32, #tpu.memory_space<vmem>>
      %dma_wait3A_201 = tpu.memref_squeeze %dma_wait3A_200 : memref<1x128xi32, #tpu.memory_space<vmem>> -> memref<128xi32, #tpu.memory_space<vmem>>
      %dma_wait3A_202 = tpu.memref_slice %arg3[%add3A_12] : memref<16384xi32, #tpu.memory_space<hbm>> -> memref<128xi32, #tpu.memory_space<hbm>>
      %dma_wait3A_203 = arith.constant 0 : i32
      %dma_wait3A_204 = tpu.memref_slice %arg8[%run_scoped3A_13, %dma_wait3A_203] : memref<4x128xi32, #tpu.memory_space<vmem>> -> memref<1x128xi32, #tpu.memory_space<vmem>>
      %dma_wait3A_205 = tpu.memref_squeeze %dma_wait3A_204 : memref<1x128xi32, #tpu.memory_space<vmem>> -> memref<128xi32, #tpu.memory_space<vmem>>
      %dma_wait3A_206 = tpu.memref_slice %arg3[%add3A_12] : memref<16384xi32, #tpu.memory_space<hbm>> -> memref<128xi32, #tpu.memory_space<hbm>>
      tpu.wait_dma2 semaphore(%run_scoped3A_190 : memref<!tpu.dma_semaphore, #tpu.memory_space<semaphore_mem>>) src(%dma_wait3A_206 : memref<128xi32, #tpu.memory_space<hbm>>) dst(%dma_wait3A_205 : memref<128xi32, #tpu.memory_space<vmem>>)
      tpu.yield
    }) : () -> ()
    %add3A_14 = arith.constant 256 : i32
    %add3A_15 = arith.addi %mul3A_2, %add3A_14 : i32
    %run_scoped3A_16 = arith.constant 2 : i32
    "tpu.region"() ({
      %run_scoped3A_190 = tpu.sem_alloc : memref<!tpu.dma_semaphore, #tpu.memory_space<semaphore_mem>>
      %dma_start3A_191 = arith.constant 0 : i32
      %dma_start3A_192 = tpu.memref_slice %arg7[%run_scoped3A_16, %dma_start3A_191] : memref<4x128xi32, #tpu.memory_space<vmem>> -> memref<1x128xi32, #tpu.memory_space<vmem>>
      %dma_start3A_193 = tpu.memref_squeeze %dma_start3A_192 : memref<1x128xi32, #tpu.memory_space<vmem>> -> memref<128xi32, #tpu.memory_space<vmem>>
      %dma_start3A_194 = tpu.memref_slice %arg2[%add3A_15] : memref<16384xi32, #tpu.memory_space<hbm>> -> memref<128xi32, #tpu.memory_space<hbm>>
      %dma_start3A_195 = arith.constant 0 : i32
      %dma_start3A_196 = tpu.memref_slice %arg7[%run_scoped3A_16, %dma_start3A_195] : memref<4x128xi32, #tpu.memory_space<vmem>> -> memref<1x128xi32, #tpu.memory_space<vmem>>
      %dma_start3A_197 = tpu.memref_squeeze %dma_start3A_196 : memref<1x128xi32, #tpu.memory_space<vmem>> -> memref<128xi32, #tpu.memory_space<vmem>>
      %dma_start3A_198 = tpu.memref_slice %arg2[%add3A_15] : memref<16384xi32, #tpu.memory_space<hbm>> -> memref<128xi32, #tpu.memory_space<hbm>>
      tpu.enqueue_dma source(%dma_start3A_198 : memref<128xi32, #tpu.memory_space<hbm>>) target(%dma_start3A_197 : memref<128xi32, #tpu.memory_space<vmem>>) target_semaphore(%run_scoped3A_190 : memref<!tpu.dma_semaphore, #tpu.memory_space<semaphore_mem>>)
      %dma_wait3A_199 = arith.constant 0 : i32
      %dma_wait3A_200 = tpu.memref_slice %arg7[%run_scoped3A_16, %dma_wait3A_199] : memref<4x128xi32, #tpu.memory_space<vmem>> -> memref<1x128xi32, #tpu.memory_space<vmem>>
      %dma_wait3A_201 = tpu.memref_squeeze %dma_wait3A_200 : memref<1x128xi32, #tpu.memory_space<vmem>> -> memref<128xi32, #tpu.memory_space<vmem>>
      %dma_wait3A_202 = tpu.memref_slice %arg2[%add3A_15] : memref<16384xi32, #tpu.memory_space<hbm>> -> memref<128xi32, #tpu.memory_space<hbm>>
      %dma_wait3A_203 = arith.constant 0 : i32
      %dma_wait3A_204 = tpu.memref_slice %arg7[%run_scoped3A_16, %dma_wait3A_203] : memref<4x128xi32, #tpu.memory_space<vmem>> -> memref<1x128xi32, #tpu.memory_space<vmem>>
      %dma_wait3A_205 = tpu.memref_squeeze %dma_wait3A_204 : memref<1x128xi32, #tpu.memory_space<vmem>> -> memref<128xi32, #tpu.memory_space<vmem>>
      %dma_wait3A_206 = tpu.memref_slice %arg2[%add3A_15] : memref<16384xi32, #tpu.memory_space<hbm>> -> memref<128xi32, #tpu.memory_space<hbm>>
      tpu.wait_dma2 semaphore(%run_scoped3A_190 : memref<!tpu.dma_semaphore, #tpu.memory_space<semaphore_mem>>) src(%dma_wait3A_206 : memref<128xi32, #tpu.memory_space<hbm>>) dst(%dma_wait3A_205 : memref<128xi32, #tpu.memory_space<vmem>>)
      tpu.yield
    }) : () -> ()
    %add3A_17 = arith.constant 256 : i32
    %add3A_18 = arith.addi %mul3A_2, %add3A_17 : i32
    %run_scoped3A_19 = arith.constant 2 : i32
    "tpu.region"() ({
      %run_scoped3A_190 = tpu.sem_alloc : memref<!tpu.dma_semaphore, #tpu.memory_space<semaphore_mem>>
      %dma_start3A_191 = arith.constant 0 : i32
      %dma_start3A_192 = tpu.memref_slice %arg8[%run_scoped3A_19, %dma_start3A_191] : memref<4x128xi32, #tpu.memory_space<vmem>> -> memref<1x128xi32, #tpu.memory_space<vmem>>
      %dma_start3A_193 = tpu.memref_squeeze %dma_start3A_192 : memref<1x128xi32, #tpu.memory_space<vmem>> -> memref<128xi32, #tpu.memory_space<vmem>>
      %dma_start3A_194 = tpu.memref_slice %arg3[%add3A_18] : memref<16384xi32, #tpu.memory_space<hbm>> -> memref<128xi32, #tpu.memory_space<hbm>>
      %dma_start3A_195 = arith.constant 0 : i32
      %dma_start3A_196 = tpu.memref_slice %arg8[%run_scoped3A_19, %dma_start3A_195] : memref<4x128xi32, #tpu.memory_space<vmem>> -> memref<1x128xi32, #tpu.memory_space<vmem>>
      %dma_start3A_197 = tpu.memref_squeeze %dma_start3A_196 : memref<1x128xi32, #tpu.memory_space<vmem>> -> memref<128xi32, #tpu.memory_space<vmem>>
      %dma_start3A_198 = tpu.memref_slice %arg3[%add3A_18] : memref<16384xi32, #tpu.memory_space<hbm>> -> memref<128xi32, #tpu.memory_space<hbm>>
      tpu.enqueue_dma source(%dma_start3A_198 : memref<128xi32, #tpu.memory_space<hbm>>) target(%dma_start3A_197 : memref<128xi32, #tpu.memory_space<vmem>>) target_semaphore(%run_scoped3A_190 : memref<!tpu.dma_semaphore, #tpu.memory_space<semaphore_mem>>)
      %dma_wait3A_199 = arith.constant 0 : i32
      %dma_wait3A_200 = tpu.memref_slice %arg8[%run_scoped3A_19, %dma_wait3A_199] : memref<4x128xi32, #tpu.memory_space<vmem>> -> memref<1x128xi32, #tpu.memory_space<vmem>>
      %dma_wait3A_201 = tpu.memref_squeeze %dma_wait3A_200 : memref<1x128xi32, #tpu.memory_space<vmem>> -> memref<128xi32, #tpu.memory_space<vmem>>
      %dma_wait3A_202 = tpu.memref_slice %arg3[%add3A_18] : memref<16384xi32, #tpu.memory_space<hbm>> -> memref<128xi32, #tpu.memory_space<hbm>>
      %dma_wait3A_203 = arith.constant 0 : i32
      %dma_wait3A_204 = tpu.memref_slice %arg8[%run_scoped3A_19, %dma_wait3A_203] : memref<4x128xi32, #tpu.memory_space<vmem>> -> memref<1x128xi32, #tpu.memory_space<vmem>>
      %dma_wait3A_205 = tpu.memref_squeeze %dma_wait3A_204 : memref<1x128xi32, #tpu.memory_space<vmem>> -> memref<128xi32, #tpu.memory_space<vmem>>
      %dma_wait3A_206 = tpu.memref_slice %arg3[%add3A_18] : memref<16384xi32, #tpu.memory_space<hbm>> -> memref<128xi32, #tpu.memory_space<hbm>>
      tpu.wait_dma2 semaphore(%run_scoped3A_190 : memref<!tpu.dma_semaphore, #tpu.memory_space<semaphore_mem>>) src(%dma_wait3A_206 : memref<128xi32, #tpu.memory_space<hbm>>) dst(%dma_wait3A_205 : memref<128xi32, #tpu.memory_space<vmem>>)
      tpu.yield
    }) : () -> ()
    %add3A_20 = arith.constant 384 : i32
    %add3A_21 = arith.addi %mul3A_2, %add3A_20 : i32
    %run_scoped3A_22 = arith.constant 3 : i32
    "tpu.region"() ({
      %run_scoped3A_190 = tpu.sem_alloc : memref<!tpu.dma_semaphore, #tpu.memory_space<semaphore_mem>>
      %dma_start3A_191 = arith.constant 0 : i32
      %dma_start3A_192 = tpu.memref_slice %arg7[%run_scoped3A_22, %dma_start3A_191] : memref<4x128xi32, #tpu.memory_space<vmem>> -> memref<1x128xi32, #tpu.memory_space<vmem>>
      %dma_start3A_193 = tpu.memref_squeeze %dma_start3A_192 : memref<1x128xi32, #tpu.memory_space<vmem>> -> memref<128xi32, #tpu.memory_space<vmem>>
      %dma_start3A_194 = tpu.memref_slice %arg2[%add3A_21] : memref<16384xi32, #tpu.memory_space<hbm>> -> memref<128xi32, #tpu.memory_space<hbm>>
      %dma_start3A_195 = arith.constant 0 : i32
      %dma_start3A_196 = tpu.memref_slice %arg7[%run_scoped3A_22, %dma_start3A_195] : memref<4x128xi32, #tpu.memory_space<vmem>> -> memref<1x128xi32, #tpu.memory_space<vmem>>
      %dma_start3A_197 = tpu.memref_squeeze %dma_start3A_196 : memref<1x128xi32, #tpu.memory_space<vmem>> -> memref<128xi32, #tpu.memory_space<vmem>>
      %dma_start3A_198 = tpu.memref_slice %arg2[%add3A_21] : memref<16384xi32, #tpu.memory_space<hbm>> -> memref<128xi32, #tpu.memory_space<hbm>>
      tpu.enqueue_dma source(%dma_start3A_198 : memref<128xi32, #tpu.memory_space<hbm>>) target(%dma_start3A_197 : memref<128xi32, #tpu.memory_space<vmem>>) target_semaphore(%run_scoped3A_190 : memref<!tpu.dma_semaphore, #tpu.memory_space<semaphore_mem>>)
      %dma_wait3A_199 = arith.constant 0 : i32
      %dma_wait3A_200 = tpu.memref_slice %arg7[%run_scoped3A_22, %dma_wait3A_199] : memref<4x128xi32, #tpu.memory_space<vmem>> -> memref<1x128xi32, #tpu.memory_space<vmem>>
      %dma_wait3A_201 = tpu.memref_squeeze %dma_wait3A_200 : memref<1x128xi32, #tpu.memory_space<vmem>> -> memref<128xi32, #tpu.memory_space<vmem>>
      %dma_wait3A_202 = tpu.memref_slice %arg2[%add3A_21] : memref<16384xi32, #tpu.memory_space<hbm>> -> memref<128xi32, #tpu.memory_space<hbm>>
      %dma_wait3A_203 = arith.constant 0 : i32
      %dma_wait3A_204 = tpu.memref_slice %arg7[%run_scoped3A_22, %dma_wait3A_203] : memref<4x128xi32, #tpu.memory_space<vmem>> -> memref<1x128xi32, #tpu.memory_space<vmem>>
      %dma_wait3A_205 = tpu.memref_squeeze %dma_wait3A_204 : memref<1x128xi32, #tpu.memory_space<vmem>> -> memref<128xi32, #tpu.memory_space<vmem>>
      %dma_wait3A_206 = tpu.memref_slice %arg2[%add3A_21] : memref<16384xi32, #tpu.memory_space<hbm>> -> memref<128xi32, #tpu.memory_space<hbm>>
      tpu.wait_dma2 semaphore(%run_scoped3A_190 : memref<!tpu.dma_semaphore, #tpu.memory_space<semaphore_mem>>) src(%dma_wait3A_206 : memref<128xi32, #tpu.memory_space<hbm>>) dst(%dma_wait3A_205 : memref<128xi32, #tpu.memory_space<vmem>>)
      tpu.yield
    }) : () -> ()
    %add3A_23 = arith.constant 384 : i32
    %add3A_24 = arith.addi %mul3A_2, %add3A_23 : i32
    %run_scoped3A_25 = arith.constant 3 : i32
    "tpu.region"() ({
      %run_scoped3A_190 = tpu.sem_alloc : memref<!tpu.dma_semaphore, #tpu.memory_space<semaphore_mem>>
      %dma_start3A_191 = arith.constant 0 : i32
      %dma_start3A_192 = tpu.memref_slice %arg8[%run_scoped3A_25, %dma_start3A_191] : memref<4x128xi32, #tpu.memory_space<vmem>> -> memref<1x128xi32, #tpu.memory_space<vmem>>
      %dma_start3A_193 = tpu.memref_squeeze %dma_start3A_192 : memref<1x128xi32, #tpu.memory_space<vmem>> -> memref<128xi32, #tpu.memory_space<vmem>>
      %dma_start3A_194 = tpu.memref_slice %arg3[%add3A_24] : memref<16384xi32, #tpu.memory_space<hbm>> -> memref<128xi32, #tpu.memory_space<hbm>>
      %dma_start3A_195 = arith.constant 0 : i32
      %dma_start3A_196 = tpu.memref_slice %arg8[%run_scoped3A_25, %dma_start3A_195] : memref<4x128xi32, #tpu.memory_space<vmem>> -> memref<1x128xi32, #tpu.memory_space<vmem>>
      %dma_start3A_197 = tpu.memref_squeeze %dma_start3A_196 : memref<1x128xi32, #tpu.memory_space<vmem>> -> memref<128xi32, #tpu.memory_space<vmem>>
      %dma_start3A_198 = tpu.memref_slice %arg3[%add3A_24] : memref<16384xi32, #tpu.memory_space<hbm>> -> memref<128xi32, #tpu.memory_space<hbm>>
      tpu.enqueue_dma source(%dma_start3A_198 : memref<128xi32, #tpu.memory_space<hbm>>) target(%dma_start3A_197 : memref<128xi32, #tpu.memory_space<vmem>>) target_semaphore(%run_scoped3A_190 : memref<!tpu.dma_semaphore, #tpu.memory_space<semaphore_mem>>)
      %dma_wait3A_199 = arith.constant 0 : i32
      %dma_wait3A_200 = tpu.memref_slice %arg8[%run_scoped3A_25, %dma_wait3A_199] : memref<4x128xi32, #tpu.memory_space<vmem>> -> memref<1x128xi32, #tpu.memory_space<vmem>>
      %dma_wait3A_201 = tpu.memref_squeeze %dma_wait3A_200 : memref<1x128xi32, #tpu.memory_space<vmem>> -> memref<128xi32, #tpu.memory_space<vmem>>
      %dma_wait3A_202 = tpu.memref_slice %arg3[%add3A_24] : memref<16384xi32, #tpu.memory_space<hbm>> -> memref<128xi32, #tpu.memory_space<hbm>>
      %dma_wait3A_203 = arith.constant 0 : i32
      %dma_wait3A_204 = tpu.memref_slice %arg8[%run_scoped3A_25, %dma_wait3A_203] : memref<4x128xi32, #tpu.memory_space<vmem>> -> memref<1x128xi32, #tpu.memory_space<vmem>>
      %dma_wait3A_205 = tpu.memref_squeeze %dma_wait3A_204 : memref<1x128xi32, #tpu.memory_space<vmem>> -> memref<128xi32, #tpu.memory_space<vmem>>
      %dma_wait3A_206 = tpu.memref_slice %arg3[%add3A_24] : memref<16384xi32, #tpu.memory_space<hbm>> -> memref<128xi32, #tpu.memory_space<hbm>>
      tpu.wait_dma2 semaphore(%run_scoped3A_190 : memref<!tpu.dma_semaphore, #tpu.memory_space<semaphore_mem>>) src(%dma_wait3A_206 : memref<128xi32, #tpu.memory_space<hbm>>) dst(%dma_wait3A_205 : memref<128xi32, #tpu.memory_space<vmem>>)
      tpu.yield
    }) : () -> ()
    %dma_start3A = arith.constant 0 : i32
    %dma_start3A_26 = arith.constant 0 : i32
    %dma_start3A_27 = arith.constant 0 : i32
    %dma_start3A_28 = tpu.memref_slice %arg9[%dma_start3A_26, %dma_start3A_27] : memref<512x64xf32, #tpu.memory_space<vmem>> -> memref<128x64xf32, #tpu.memory_space<vmem>>
    %dma_start3A_29 = arith.constant 0 : i32
    %dma_start3A_30 = tpu.memref_slice %arg7[%dma_start3A, %dma_start3A_29] : memref<4x128xi32, #tpu.memory_space<vmem>> -> memref<1x128xi32, #tpu.memory_space<vmem>>
    %dma_start3A_31 = tpu.memref_squeeze %dma_start3A_30 : memref<1x128xi32, #tpu.memory_space<vmem>> -> memref<128xi32, #tpu.memory_space<vmem>>
    %dma_start3A_32 = arith.constant 0 : i32
    %dma_start3A_33 = arith.constant 0 : i32
    %dma_start3A_34 = tpu.memref_slice %arg4[%dma_start3A_32, %dma_start3A_33] : memref<100000x64xf32, #tpu.memory_space<hbm>> -> memref<100000x64xf32, #tpu.memory_space<hbm>>
    tpu.enqueue_indirect_dma source(%dma_start3A_34 : memref<100000x64xf32, #tpu.memory_space<hbm>>) target(%dma_start3A_28 : memref<128x64xf32, #tpu.memory_space<vmem>>) offsets(%dma_start3A_31 : memref<128xi32, #tpu.memory_space<vmem>>) semaphore(%arg12 : memref<!tpu.dma_semaphore, #tpu.memory_space<semaphore_mem>>)
    %dma_start3A_35 = arith.constant 0 : i32
    %dma_start3A_36 = arith.constant 0 : i32
    %dma_start3A_37 = arith.constant 0 : i32
    %dma_start3A_38 = tpu.memref_slice %arg10[%dma_start3A_36, %dma_start3A_37] : memref<512x64xf32, #tpu.memory_space<vmem>> -> memref<128x64xf32, #tpu.memory_space<vmem>>
    %dma_start3A_39 = arith.constant 0 : i32
    %dma_start3A_40 = tpu.memref_slice %arg8[%dma_start3A_35, %dma_start3A_39] : memref<4x128xi32, #tpu.memory_space<vmem>> -> memref<1x128xi32, #tpu.memory_space<vmem>>
    %dma_start3A_41 = tpu.memref_squeeze %dma_start3A_40 : memref<1x128xi32, #tpu.memory_space<vmem>> -> memref<128xi32, #tpu.memory_space<vmem>>
    %dma_start3A_42 = arith.constant 0 : i32
    %dma_start3A_43 = arith.constant 0 : i32
    %dma_start3A_44 = tpu.memref_slice %arg5[%dma_start3A_42, %dma_start3A_43] : memref<100000x64xf32, #tpu.memory_space<hbm>> -> memref<100000x64xf32, #tpu.memory_space<hbm>>
    tpu.enqueue_indirect_dma source(%dma_start3A_44 : memref<100000x64xf32, #tpu.memory_space<hbm>>) target(%dma_start3A_38 : memref<128x64xf32, #tpu.memory_space<vmem>>) offsets(%dma_start3A_41 : memref<128xi32, #tpu.memory_space<vmem>>) semaphore(%arg13 : memref<!tpu.dma_semaphore, #tpu.memory_space<semaphore_mem>>)
    %dma_start3A_45 = arith.constant 1 : i32
    %dma_start3A_46 = arith.constant 128 : i32
    %dma_start3A_47 = arith.constant 0 : i32
    %dma_start3A_48 = tpu.memref_slice %arg9[%dma_start3A_46, %dma_start3A_47] : memref<512x64xf32, #tpu.memory_space<vmem>> -> memref<128x64xf32, #tpu.memory_space<vmem>>
    %dma_start3A_49 = arith.constant 0 : i32
    %dma_start3A_50 = tpu.memref_slice %arg7[%dma_start3A_45, %dma_start3A_49] : memref<4x128xi32, #tpu.memory_space<vmem>> -> memref<1x128xi32, #tpu.memory_space<vmem>>
    %dma_start3A_51 = tpu.memref_squeeze %dma_start3A_50 : memref<1x128xi32, #tpu.memory_space<vmem>> -> memref<128xi32, #tpu.memory_space<vmem>>
    %dma_start3A_52 = arith.constant 0 : i32
    %dma_start3A_53 = arith.constant 0 : i32
    %dma_start3A_54 = tpu.memref_slice %arg4[%dma_start3A_52, %dma_start3A_53] : memref<100000x64xf32, #tpu.memory_space<hbm>> -> memref<100000x64xf32, #tpu.memory_space<hbm>>
    tpu.enqueue_indirect_dma source(%dma_start3A_54 : memref<100000x64xf32, #tpu.memory_space<hbm>>) target(%dma_start3A_48 : memref<128x64xf32, #tpu.memory_space<vmem>>) offsets(%dma_start3A_51 : memref<128xi32, #tpu.memory_space<vmem>>) semaphore(%arg12 : memref<!tpu.dma_semaphore, #tpu.memory_space<semaphore_mem>>)
    %dma_start3A_55 = arith.constant 1 : i32
    %dma_start3A_56 = arith.constant 128 : i32
    %dma_start3A_57 = arith.constant 0 : i32
    %dma_start3A_58 = tpu.memref_slice %arg10[%dma_start3A_56, %dma_start3A_57] : memref<512x64xf32, #tpu.memory_space<vmem>> -> memref<128x64xf32, #tpu.memory_space<vmem>>
    %dma_start3A_59 = arith.constant 0 : i32
    %dma_start3A_60 = tpu.memref_slice %arg8[%dma_start3A_55, %dma_start3A_59] : memref<4x128xi32, #tpu.memory_space<vmem>> -> memref<1x128xi32, #tpu.memory_space<vmem>>
    %dma_start3A_61 = tpu.memref_squeeze %dma_start3A_60 : memref<1x128xi32, #tpu.memory_space<vmem>> -> memref<128xi32, #tpu.memory_space<vmem>>
    %dma_start3A_62 = arith.constant 0 : i32
    %dma_start3A_63 = arith.constant 0 : i32
    %dma_start3A_64 = tpu.memref_slice %arg5[%dma_start3A_62, %dma_start3A_63] : memref<100000x64xf32, #tpu.memory_space<hbm>> -> memref<100000x64xf32, #tpu.memory_space<hbm>>
    tpu.enqueue_indirect_dma source(%dma_start3A_64 : memref<100000x64xf32, #tpu.memory_space<hbm>>) target(%dma_start3A_58 : memref<128x64xf32, #tpu.memory_space<vmem>>) offsets(%dma_start3A_61 : memref<128xi32, #tpu.memory_space<vmem>>) semaphore(%arg13 : memref<!tpu.dma_semaphore, #tpu.memory_space<semaphore_mem>>)
    %dma_start3A_65 = arith.constant 2 : i32
    %dma_start3A_66 = arith.constant 256 : i32
    %dma_start3A_67 = arith.constant 0 : i32
    %dma_start3A_68 = tpu.memref_slice %arg9[%dma_start3A_66, %dma_start3A_67] : memref<512x64xf32, #tpu.memory_space<vmem>> -> memref<128x64xf32, #tpu.memory_space<vmem>>
    %dma_start3A_69 = arith.constant 0 : i32
    %dma_start3A_70 = tpu.memref_slice %arg7[%dma_start3A_65, %dma_start3A_69] : memref<4x128xi32, #tpu.memory_space<vmem>> -> memref<1x128xi32, #tpu.memory_space<vmem>>
    %dma_start3A_71 = tpu.memref_squeeze %dma_start3A_70 : memref<1x128xi32, #tpu.memory_space<vmem>> -> memref<128xi32, #tpu.memory_space<vmem>>
    %dma_start3A_72 = arith.constant 0 : i32
    %dma_start3A_73 = arith.constant 0 : i32
    %dma_start3A_74 = tpu.memref_slice %arg4[%dma_start3A_72, %dma_start3A_73] : memref<100000x64xf32, #tpu.memory_space<hbm>> -> memref<100000x64xf32, #tpu.memory_space<hbm>>
    tpu.enqueue_indirect_dma source(%dma_start3A_74 : memref<100000x64xf32, #tpu.memory_space<hbm>>) target(%dma_start3A_68 : memref<128x64xf32, #tpu.memory_space<vmem>>) offsets(%dma_start3A_71 : memref<128xi32, #tpu.memory_space<vmem>>) semaphore(%arg12 : memref<!tpu.dma_semaphore, #tpu.memory_space<semaphore_mem>>)
    %dma_start3A_75 = arith.constant 2 : i32
    %dma_start3A_76 = arith.constant 256 : i32
    %dma_start3A_77 = arith.constant 0 : i32
    %dma_start3A_78 = tpu.memref_slice %arg10[%dma_start3A_76, %dma_start3A_77] : memref<512x64xf32, #tpu.memory_space<vmem>> -> memref<128x64xf32, #tpu.memory_space<vmem>>
    %dma_start3A_79 = arith.constant 0 : i32
    %dma_start3A_80 = tpu.memref_slice %arg8[%dma_start3A_75, %dma_start3A_79] : memref<4x128xi32, #tpu.memory_space<vmem>> -> memref<1x128xi32, #tpu.memory_space<vmem>>
    %dma_start3A_81 = tpu.memref_squeeze %dma_start3A_80 : memref<1x128xi32, #tpu.memory_space<vmem>> -> memref<128xi32, #tpu.memory_space<vmem>>
    %dma_start3A_82 = arith.constant 0 : i32
    %dma_start3A_83 = arith.constant 0 : i32
    %dma_start3A_84 = tpu.memref_slice %arg5[%dma_start3A_82, %dma_start3A_83] : memref<100000x64xf32, #tpu.memory_space<hbm>> -> memref<100000x64xf32, #tpu.memory_space<hbm>>
    tpu.enqueue_indirect_dma source(%dma_start3A_84 : memref<100000x64xf32, #tpu.memory_space<hbm>>) target(%dma_start3A_78 : memref<128x64xf32, #tpu.memory_space<vmem>>) offsets(%dma_start3A_81 : memref<128xi32, #tpu.memory_space<vmem>>) semaphore(%arg13 : memref<!tpu.dma_semaphore, #tpu.memory_space<semaphore_mem>>)
    %dma_start3A_85 = arith.constant 3 : i32
    %dma_start3A_86 = arith.constant 384 : i32
    %dma_start3A_87 = arith.constant 0 : i32
    %dma_start3A_88 = tpu.memref_slice %arg9[%dma_start3A_86, %dma_start3A_87] : memref<512x64xf32, #tpu.memory_space<vmem>> -> memref<128x64xf32, #tpu.memory_space<vmem>>
    %dma_start3A_89 = arith.constant 0 : i32
    %dma_start3A_90 = tpu.memref_slice %arg7[%dma_start3A_85, %dma_start3A_89] : memref<4x128xi32, #tpu.memory_space<vmem>> -> memref<1x128xi32, #tpu.memory_space<vmem>>
    %dma_start3A_91 = tpu.memref_squeeze %dma_start3A_90 : memref<1x128xi32, #tpu.memory_space<vmem>> -> memref<128xi32, #tpu.memory_space<vmem>>
    %dma_start3A_92 = arith.constant 0 : i32
    %dma_start3A_93 = arith.constant 0 : i32
    %dma_start3A_94 = tpu.memref_slice %arg4[%dma_start3A_92, %dma_start3A_93] : memref<100000x64xf32, #tpu.memory_space<hbm>> -> memref<100000x64xf32, #tpu.memory_space<hbm>>
    tpu.enqueue_indirect_dma source(%dma_start3A_94 : memref<100000x64xf32, #tpu.memory_space<hbm>>) target(%dma_start3A_88 : memref<128x64xf32, #tpu.memory_space<vmem>>) offsets(%dma_start3A_91 : memref<128xi32, #tpu.memory_space<vmem>>) semaphore(%arg12 : memref<!tpu.dma_semaphore, #tpu.memory_space<semaphore_mem>>)
    %dma_start3A_95 = arith.constant 3 : i32
    %dma_start3A_96 = arith.constant 384 : i32
    %dma_start3A_97 = arith.constant 0 : i32
    %dma_start3A_98 = tpu.memref_slice %arg10[%dma_start3A_96, %dma_start3A_97] : memref<512x64xf32, #tpu.memory_space<vmem>> -> memref<128x64xf32, #tpu.memory_space<vmem>>
    %dma_start3A_99 = arith.constant 0 : i32
    %dma_start3A_100 = tpu.memref_slice %arg8[%dma_start3A_95, %dma_start3A_99] : memref<4x128xi32, #tpu.memory_space<vmem>> -> memref<1x128xi32, #tpu.memory_space<vmem>>
    %dma_start3A_101 = tpu.memref_squeeze %dma_start3A_100 : memref<1x128xi32, #tpu.memory_space<vmem>> -> memref<128xi32, #tpu.memory_space<vmem>>
    %dma_start3A_102 = arith.constant 0 : i32
    %dma_start3A_103 = arith.constant 0 : i32
    %dma_start3A_104 = tpu.memref_slice %arg5[%dma_start3A_102, %dma_start3A_103] : memref<100000x64xf32, #tpu.memory_space<hbm>> -> memref<100000x64xf32, #tpu.memory_space<hbm>>
    tpu.enqueue_indirect_dma source(%dma_start3A_104 : memref<100000x64xf32, #tpu.memory_space<hbm>>) target(%dma_start3A_98 : memref<128x64xf32, #tpu.memory_space<vmem>>) offsets(%dma_start3A_101 : memref<128xi32, #tpu.memory_space<vmem>>) semaphore(%arg13 : memref<!tpu.dma_semaphore, #tpu.memory_space<semaphore_mem>>)
    %dma_wait3A = arith.constant 0 : i32
    %dma_wait3A_105 = arith.constant 0 : i32
    %dma_wait3A_106 = arith.constant 0 : i32
    %dma_wait3A_107 = tpu.memref_slice %arg9[%dma_wait3A_105, %dma_wait3A_106] : memref<512x64xf32, #tpu.memory_space<vmem>> -> memref<128x64xf32, #tpu.memory_space<vmem>>
    %dma_wait3A_108 = arith.constant 0 : i32
    %dma_wait3A_109 = tpu.memref_slice %arg7[%dma_wait3A, %dma_wait3A_108] : memref<4x128xi32, #tpu.memory_space<vmem>> -> memref<1x128xi32, #tpu.memory_space<vmem>>
    %dma_wait3A_110 = tpu.memref_squeeze %dma_wait3A_109 : memref<1x128xi32, #tpu.memory_space<vmem>> -> memref<128xi32, #tpu.memory_space<vmem>>
    %dma_wait3A_111 = arith.constant 0 : i32
    %dma_wait3A_112 = arith.constant 0 : i32
    %dma_wait3A_113 = tpu.memref_slice %arg4[%dma_wait3A_111, %dma_wait3A_112] : memref<100000x64xf32, #tpu.memory_space<hbm>> -> memref<100000x64xf32, #tpu.memory_space<hbm>>
    tpu.wait_indirect_dma semaphore(%arg12 : memref<!tpu.dma_semaphore, #tpu.memory_space<semaphore_mem>>) src(%dma_wait3A_113 : memref<100000x64xf32, #tpu.memory_space<hbm>>) dst(%dma_wait3A_107 : memref<128x64xf32, #tpu.memory_space<vmem>>)
    %dma_wait3A_114 = arith.constant 0 : i32
    %dma_wait3A_115 = arith.constant 0 : i32
    %dma_wait3A_116 = arith.constant 0 : i32
    %dma_wait3A_117 = tpu.memref_slice %arg10[%dma_wait3A_115, %dma_wait3A_116] : memref<512x64xf32, #tpu.memory_space<vmem>> -> memref<128x64xf32, #tpu.memory_space<vmem>>
    %dma_wait3A_118 = arith.constant 0 : i32
    %dma_wait3A_119 = tpu.memref_slice %arg8[%dma_wait3A_114, %dma_wait3A_118] : memref<4x128xi32, #tpu.memory_space<vmem>> -> memref<1x128xi32, #tpu.memory_space<vmem>>
    %dma_wait3A_120 = tpu.memref_squeeze %dma_wait3A_119 : memref<1x128xi32, #tpu.memory_space<vmem>> -> memref<128xi32, #tpu.memory_space<vmem>>
    %dma_wait3A_121 = arith.constant 0 : i32
    %dma_wait3A_122 = arith.constant 0 : i32
    %dma_wait3A_123 = tpu.memref_slice %arg5[%dma_wait3A_121, %dma_wait3A_122] : memref<100000x64xf32, #tpu.memory_space<hbm>> -> memref<100000x64xf32, #tpu.memory_space<hbm>>
    tpu.wait_indirect_dma semaphore(%arg13 : memref<!tpu.dma_semaphore, #tpu.memory_space<semaphore_mem>>) src(%dma_wait3A_123 : memref<100000x64xf32, #tpu.memory_space<hbm>>) dst(%dma_wait3A_117 : memref<128x64xf32, #tpu.memory_space<vmem>>)
    %dma_wait3A_124 = arith.constant 1 : i32
    %dma_wait3A_125 = arith.constant 128 : i32
    %dma_wait3A_126 = arith.constant 0 : i32
    %dma_wait3A_127 = tpu.memref_slice %arg9[%dma_wait3A_125, %dma_wait3A_126] : memref<512x64xf32, #tpu.memory_space<vmem>> -> memref<128x64xf32, #tpu.memory_space<vmem>>
    %dma_wait3A_128 = arith.constant 0 : i32
    %dma_wait3A_129 = tpu.memref_slice %arg7[%dma_wait3A_124, %dma_wait3A_128] : memref<4x128xi32, #tpu.memory_space<vmem>> -> memref<1x128xi32, #tpu.memory_space<vmem>>
    %dma_wait3A_130 = tpu.memref_squeeze %dma_wait3A_129 : memref<1x128xi32, #tpu.memory_space<vmem>> -> memref<128xi32, #tpu.memory_space<vmem>>
    %dma_wait3A_131 = arith.constant 0 : i32
    %dma_wait3A_132 = arith.constant 0 : i32
    %dma_wait3A_133 = tpu.memref_slice %arg4[%dma_wait3A_131, %dma_wait3A_132] : memref<100000x64xf32, #tpu.memory_space<hbm>> -> memref<100000x64xf32, #tpu.memory_space<hbm>>
    tpu.wait_indirect_dma semaphore(%arg12 : memref<!tpu.dma_semaphore, #tpu.memory_space<semaphore_mem>>) src(%dma_wait3A_133 : memref<100000x64xf32, #tpu.memory_space<hbm>>) dst(%dma_wait3A_127 : memref<128x64xf32, #tpu.memory_space<vmem>>)
    %dma_wait3A_134 = arith.constant 1 : i32
    %dma_wait3A_135 = arith.constant 128 : i32
    %dma_wait3A_136 = arith.constant 0 : i32
    %dma_wait3A_137 = tpu.memref_slice %arg10[%dma_wait3A_135, %dma_wait3A_136] : memref<512x64xf32, #tpu.memory_space<vmem>> -> memref<128x64xf32, #tpu.memory_space<vmem>>
    %dma_wait3A_138 = arith.constant 0 : i32
    %dma_wait3A_139 = tpu.memref_slice %arg8[%dma_wait3A_134, %dma_wait3A_138] : memref<4x128xi32, #tpu.memory_space<vmem>> -> memref<1x128xi32, #tpu.memory_space<vmem>>
    %dma_wait3A_140 = tpu.memref_squeeze %dma_wait3A_139 : memref<1x128xi32, #tpu.memory_space<vmem>> -> memref<128xi32, #tpu.memory_space<vmem>>
    %dma_wait3A_141 = arith.constant 0 : i32
    %dma_wait3A_142 = arith.constant 0 : i32
    %dma_wait3A_143 = tpu.memref_slice %arg5[%dma_wait3A_141, %dma_wait3A_142] : memref<100000x64xf32, #tpu.memory_space<hbm>> -> memref<100000x64xf32, #tpu.memory_space<hbm>>
    tpu.wait_indirect_dma semaphore(%arg13 : memref<!tpu.dma_semaphore, #tpu.memory_space<semaphore_mem>>) src(%dma_wait3A_143 : memref<100000x64xf32, #tpu.memory_space<hbm>>) dst(%dma_wait3A_137 : memref<128x64xf32, #tpu.memory_space<vmem>>)
    %dma_wait3A_144 = arith.constant 2 : i32
    %dma_wait3A_145 = arith.constant 256 : i32
    %dma_wait3A_146 = arith.constant 0 : i32
    %dma_wait3A_147 = tpu.memref_slice %arg9[%dma_wait3A_145, %dma_wait3A_146] : memref<512x64xf32, #tpu.memory_space<vmem>> -> memref<128x64xf32, #tpu.memory_space<vmem>>
    %dma_wait3A_148 = arith.constant 0 : i32
    %dma_wait3A_149 = tpu.memref_slice %arg7[%dma_wait3A_144, %dma_wait3A_148] : memref<4x128xi32, #tpu.memory_space<vmem>> -> memref<1x128xi32, #tpu.memory_space<vmem>>
    %dma_wait3A_150 = tpu.memref_squeeze %dma_wait3A_149 : memref<1x128xi32, #tpu.memory_space<vmem>> -> memref<128xi32, #tpu.memory_space<vmem>>
    %dma_wait3A_151 = arith.constant 0 : i32
    %dma_wait3A_152 = arith.constant 0 : i32
    %dma_wait3A_153 = tpu.memref_slice %arg4[%dma_wait3A_151, %dma_wait3A_152] : memref<100000x64xf32, #tpu.memory_space<hbm>> -> memref<100000x64xf32, #tpu.memory_space<hbm>>
    tpu.wait_indirect_dma semaphore(%arg12 : memref<!tpu.dma_semaphore, #tpu.memory_space<semaphore_mem>>) src(%dma_wait3A_153 : memref<100000x64xf32, #tpu.memory_space<hbm>>) dst(%dma_wait3A_147 : memref<128x64xf32, #tpu.memory_space<vmem>>)
    %dma_wait3A_154 = arith.constant 2 : i32
    %dma_wait3A_155 = arith.constant 256 : i32
    %dma_wait3A_156 = arith.constant 0 : i32
    %dma_wait3A_157 = tpu.memref_slice %arg10[%dma_wait3A_155, %dma_wait3A_156] : memref<512x64xf32, #tpu.memory_space<vmem>> -> memref<128x64xf32, #tpu.memory_space<vmem>>
    %dma_wait3A_158 = arith.constant 0 : i32
    %dma_wait3A_159 = tpu.memref_slice %arg8[%dma_wait3A_154, %dma_wait3A_158] : memref<4x128xi32, #tpu.memory_space<vmem>> -> memref<1x128xi32, #tpu.memory_space<vmem>>
    %dma_wait3A_160 = tpu.memref_squeeze %dma_wait3A_159 : memref<1x128xi32, #tpu.memory_space<vmem>> -> memref<128xi32, #tpu.memory_space<vmem>>
    %dma_wait3A_161 = arith.constant 0 : i32
    %dma_wait3A_162 = arith.constant 0 : i32
    %dma_wait3A_163 = tpu.memref_slice %arg5[%dma_wait3A_161, %dma_wait3A_162] : memref<100000x64xf32, #tpu.memory_space<hbm>> -> memref<100000x64xf32, #tpu.memory_space<hbm>>
    tpu.wait_indirect_dma semaphore(%arg13 : memref<!tpu.dma_semaphore, #tpu.memory_space<semaphore_mem>>) src(%dma_wait3A_163 : memref<100000x64xf32, #tpu.memory_space<hbm>>) dst(%dma_wait3A_157 : memref<128x64xf32, #tpu.memory_space<vmem>>)
    %dma_wait3A_164 = arith.constant 3 : i32
    %dma_wait3A_165 = arith.constant 384 : i32
    %dma_wait3A_166 = arith.constant 0 : i32
    %dma_wait3A_167 = tpu.memref_slice %arg9[%dma_wait3A_165, %dma_wait3A_166] : memref<512x64xf32, #tpu.memory_space<vmem>> -> memref<128x64xf32, #tpu.memory_space<vmem>>
    %dma_wait3A_168 = arith.constant 0 : i32
    %dma_wait3A_169 = tpu.memref_slice %arg7[%dma_wait3A_164, %dma_wait3A_168] : memref<4x128xi32, #tpu.memory_space<vmem>> -> memref<1x128xi32, #tpu.memory_space<vmem>>
    %dma_wait3A_170 = tpu.memref_squeeze %dma_wait3A_169 : memref<1x128xi32, #tpu.memory_space<vmem>> -> memref<128xi32, #tpu.memory_space<vmem>>
    %dma_wait3A_171 = arith.constant 0 : i32
    %dma_wait3A_172 = arith.constant 0 : i32
    %dma_wait3A_173 = tpu.memref_slice %arg4[%dma_wait3A_171, %dma_wait3A_172] : memref<100000x64xf32, #tpu.memory_space<hbm>> -> memref<100000x64xf32, #tpu.memory_space<hbm>>
    tpu.wait_indirect_dma semaphore(%arg12 : memref<!tpu.dma_semaphore, #tpu.memory_space<semaphore_mem>>) src(%dma_wait3A_173 : memref<100000x64xf32, #tpu.memory_space<hbm>>) dst(%dma_wait3A_167 : memref<128x64xf32, #tpu.memory_space<vmem>>)
    %dma_wait3A_174 = arith.constant 3 : i32
    %dma_wait3A_175 = arith.constant 384 : i32
    %dma_wait3A_176 = arith.constant 0 : i32
    %dma_wait3A_177 = tpu.memref_slice %arg10[%dma_wait3A_175, %dma_wait3A_176] : memref<512x64xf32, #tpu.memory_space<vmem>> -> memref<128x64xf32, #tpu.memory_space<vmem>>
    %dma_wait3A_178 = arith.constant 0 : i32
    %dma_wait3A_179 = tpu.memref_slice %arg8[%dma_wait3A_174, %dma_wait3A_178] : memref<4x128xi32, #tpu.memory_space<vmem>> -> memref<1x128xi32, #tpu.memory_space<vmem>>
    %dma_wait3A_180 = tpu.memref_squeeze %dma_wait3A_179 : memref<1x128xi32, #tpu.memory_space<vmem>> -> memref<128xi32, #tpu.memory_space<vmem>>
    %dma_wait3A_181 = arith.constant 0 : i32
    %dma_wait3A_182 = arith.constant 0 : i32
    %dma_wait3A_183 = tpu.memref_slice %arg5[%dma_wait3A_181, %dma_wait3A_182] : memref<100000x64xf32, #tpu.memory_space<hbm>> -> memref<100000x64xf32, #tpu.memory_space<hbm>>
    tpu.wait_indirect_dma semaphore(%arg13 : memref<!tpu.dma_semaphore, #tpu.memory_space<semaphore_mem>>) src(%dma_wait3A_183 : memref<100000x64xf32, #tpu.memory_space<hbm>>) dst(%dma_wait3A_177 : memref<128x64xf32, #tpu.memory_space<vmem>>)
    %iota3A = tpu.iota {dimensions = array<i32: 0>} : vector<16xi32>
    %scan3A = arith.constant 0 : i32
    %scan3A_184 = arith.constant 0 : i32
    %scan3A_185 = arith.constant 32 : i32
    %scan3A_186 = arith.addi %scan3A_184, %scan3A_185 : i32
    %scan3A_187 = arith.constant 1 : i32
    %scan3A_188 = scf.for %scan3A_190 = %scan3A_184 to %scan3A_186 step %scan3A_187 iter_args(%scan3A_191 = %scan3A) -> (i32)  : i32 {
      %mul3A_192 = arith.constant 16 : i32
      %mul3A_193 = arith.muli %scan3A_190, %mul3A_192 : i32
      %add3A_194 = vector.broadcast %mul3A_193 : i32 to vector<16xi32>
      %add3A_195 = arith.addi %add3A_194, %iota3A : vector<16xi32>
      %broadcast_in_dim3A = arith.constant 0.000000e+00 : f32
      %broadcast_in_dim3A_196 = vector.broadcast %broadcast_in_dim3A : f32 to vector<16xf32>
      %broadcast_in_dim3A_197 = arith.constant 0 : i32
      %broadcast_in_dim3A_198 = vector.broadcast %broadcast_in_dim3A_197 : i32 to vector<16xi32>
      %gather3A = tpu.vector_load_idx %arg9[%add3A_195, %broadcast_in_dim3A_198] : memref<512x64xf32, #tpu.memory_space<vmem>>[vector<16xi32>, vector<16xi32>], vector<16xf32>,
      %gather3A_199 = tpu.vector_load_idx %arg10[%add3A_195, %broadcast_in_dim3A_198] : memref<512x64xf32, #tpu.memory_space<vmem>>[vector<16xi32>, vector<16xi32>], vector<16xf32>,
      %mul3A_200 = arith.mulf %gather3A, %gather3A_199 : vector<16xf32>
      %add3A_201 = arith.addf %broadcast_in_dim3A_196, %mul3A_200 : vector<16xf32>
      %broadcast_in_dim3A_202 = arith.constant 1 : i32
      %broadcast_in_dim3A_203 = vector.broadcast %broadcast_in_dim3A_202 : i32 to vector<16xi32>
      %gather3A_204 = tpu.vector_load_idx %arg9[%add3A_195, %broadcast_in_dim3A_203] : memref<512x64xf32, #tpu.memory_space<vmem>>[vector<16xi32>, vector<16xi32>], vector<16xf32>,
      %gather3A_205 = tpu.vector_load_idx %arg10[%add3A_195, %broadcast_in_dim3A_203] : memref<512x64xf32, #tpu.memory_space<vmem>>[vector<16xi32>, vector<16xi32>], vector<16xf32>,
      %mul3A_206 = arith.mulf %gather3A_204, %gather3A_205 : vector<16xf32>
      %add3A_207 = arith.addf %add3A_201, %mul3A_206 : vector<16xf32>
      %broadcast_in_dim3A_208 = arith.constant 2 : i32
      %broadcast_in_dim3A_209 = vector.broadcast %broadcast_in_dim3A_208 : i32 to vector<16xi32>
      %gather3A_210 = tpu.vector_load_idx %arg9[%add3A_195, %broadcast_in_dim3A_209] : memref<512x64xf32, #tpu.memory_space<vmem>>[vector<16xi32>, vector<16xi32>], vector<16xf32>,
      %gather3A_211 = tpu.vector_load_idx %arg10[%add3A_195, %broadcast_in_dim3A_209] : memref<512x64xf32, #tpu.memory_space<vmem>>[vector<16xi32>, vector<16xi32>], vector<16xf32>,
      %mul3A_212 = arith.mulf %gather3A_210, %gather3A_211 : vector<16xf32>
      %add3A_213 = arith.addf %add3A_207, %mul3A_212 : vector<16xf32>
      %broadcast_in_dim3A_214 = arith.constant 3 : i32
      %broadcast_in_dim3A_215 = vector.broadcast %broadcast_in_dim3A_214 : i32 to vector<16xi32>
      %gather3A_216 = tpu.vector_load_idx %arg9[%add3A_195, %broadcast_in_dim3A_215] : memref<512x64xf32, #tpu.memory_space<vmem>>[vector<16xi32>, vector<16xi32>], vector<16xf32>,
      %gather3A_217 = tpu.vector_load_idx %arg10[%add3A_195, %broadcast_in_dim3A_215] : memref<512x64xf32, #tpu.memory_space<vmem>>[vector<16xi32>, vector<16xi32>], vector<16xf32>,
      %mul3A_218 = arith.mulf %gather3A_216, %gather3A_217 : vector<16xf32>
      %add3A_219 = arith.addf %add3A_213, %mul3A_218 : vector<16xf32>
      %broadcast_in_dim3A_220 = arith.constant 4 : i32
      %broadcast_in_dim3A_221 = vector.broadcast %broadcast_in_dim3A_220 : i32 to vector<16xi32>
      %gather3A_222 = tpu.vector_load_idx %arg9[%add3A_195, %broadcast_in_dim3A_221] : memref<512x64xf32, #tpu.memory_space<vmem>>[vector<16xi32>, vector<16xi32>], vector<16xf32>,
      %gather3A_223 = tpu.vector_load_idx %arg10[%add3A_195, %broadcast_in_dim3A_221] : memref<512x64xf32, #tpu.memory_space<vmem>>[vector<16xi32>, vector<16xi32>], vector<16xf32>,
      %mul3A_224 = arith.mulf %gather3A_222, %gather3A_223 : vector<16xf32>
      %add3A_225 = arith.addf %add3A_219, %mul3A_224 : vector<16xf32>
      %broadcast_in_dim3A_226 = arith.constant 5 : i32
      %broadcast_in_dim3A_227 = vector.broadcast %broadcast_in_dim3A_226 : i32 to vector<16xi32>
      %gather3A_228 = tpu.vector_load_idx %arg9[%add3A_195, %broadcast_in_dim3A_227] : memref<512x64xf32, #tpu.memory_space<vmem>>[vector<16xi32>, vector<16xi32>], vector<16xf32>,
      %gather3A_229 = tpu.vector_load_idx %arg10[%add3A_195, %broadcast_in_dim3A_227] : memref<512x64xf32, #tpu.memory_space<vmem>>[vector<16xi32>, vector<16xi32>], vector<16xf32>,
      %mul3A_230 = arith.mulf %gather3A_228, %gather3A_229 : vector<16xf32>
      %add3A_231 = arith.addf %add3A_225, %mul3A_230 : vector<16xf32>
      %broadcast_in_dim3A_232 = arith.constant 6 : i32
      %broadcast_in_dim3A_233 = vector.broadcast %broadcast_in_dim3A_232 : i32 to vector<16xi32>
      %gather3A_234 = tpu.vector_load_idx %arg9[%add3A_195, %broadcast_in_dim3A_233] : memref<512x64xf32, #tpu.memory_space<vmem>>[vector<16xi32>, vector<16xi32>], vector<16xf32>,
      %gather3A_235 = tpu.vector_load_idx %arg10[%add3A_195, %broadcast_in_dim3A_233] : memref<512x64xf32, #tpu.memory_space<vmem>>[vector<16xi32>, vector<16xi32>], vector<16xf32>,
      %mul3A_236 = arith.mulf %gather3A_234, %gather3A_235 : vector<16xf32>
      %add3A_237 = arith.addf %add3A_231, %mul3A_236 : vector<16xf32>
      %broadcast_in_dim3A_238 = arith.constant 7 : i32
      %broadcast_in_dim3A_239 = vector.broadcast %broadcast_in_dim3A_238 : i32 to vector<16xi32>
      %gather3A_240 = tpu.vector_load_idx %arg9[%add3A_195, %broadcast_in_dim3A_239] : memref<512x64xf32, #tpu.memory_space<vmem>>[vector<16xi32>, vector<16xi32>], vector<16xf32>,
      %gather3A_241 = tpu.vector_load_idx %arg10[%add3A_195, %broadcast_in_dim3A_239] : memref<512x64xf32, #tpu.memory_space<vmem>>[vector<16xi32>, vector<16xi32>], vector<16xf32>,
      %mul3A_242 = arith.mulf %gather3A_240, %gather3A_241 : vector<16xf32>
      %add3A_243 = arith.addf %add3A_237, %mul3A_242 : vector<16xf32>
      %broadcast_in_dim3A_244 = arith.constant 8 : i32
      %broadcast_in_dim3A_245 = vector.broadcast %broadcast_in_dim3A_244 : i32 to vector<16xi32>
      %gather3A_246 = tpu.vector_load_idx %arg9[%add3A_195, %broadcast_in_dim3A_245] : memref<512x64xf32, #tpu.memory_space<vmem>>[vector<16xi32>, vector<16xi32>], vector<16xf32>,
      %gather3A_247 = tpu.vector_load_idx %arg10[%add3A_195, %broadcast_in_dim3A_245] : memref<512x64xf32, #tpu.memory_space<vmem>>[vector<16xi32>, vector<16xi32>], vector<16xf32>,
      %mul3A_248 = arith.mulf %gather3A_246, %gather3A_247 : vector<16xf32>
      %add3A_249 = arith.addf %add3A_243, %mul3A_248 : vector<16xf32>
      %broadcast_in_dim3A_250 = arith.constant 9 : i32
      %broadcast_in_dim3A_251 = vector.broadcast %broadcast_in_dim3A_250 : i32 to vector<16xi32>
      %gather3A_252 = tpu.vector_load_idx %arg9[%add3A_195, %broadcast_in_dim3A_251] : memref<512x64xf32, #tpu.memory_space<vmem>>[vector<16xi32>, vector<16xi32>], vector<16xf32>,
      %gather3A_253 = tpu.vector_load_idx %arg10[%add3A_195, %broadcast_in_dim3A_251] : memref<512x64xf32, #tpu.memory_space<vmem>>[vector<16xi32>, vector<16xi32>], vector<16xf32>,
      %mul3A_254 = arith.mulf %gather3A_252, %gather3A_253 : vector<16xf32>
      %add3A_255 = arith.addf %add3A_249, %mul3A_254 : vector<16xf32>
      %broadcast_in_dim3A_256 = arith.constant 10 : i32
      %broadcast_in_dim3A_257 = vector.broadcast %broadcast_in_dim3A_256 : i32 to vector<16xi32>
      %gather3A_258 = tpu.vector_load_idx %arg9[%add3A_195, %broadcast_in_dim3A_257] : memref<512x64xf32, #tpu.memory_space<vmem>>[vector<16xi32>, vector<16xi32>], vector<16xf32>,
      %gather3A_259 = tpu.vector_load_idx %arg10[%add3A_195, %broadcast_in_dim3A_257] : memref<512x64xf32, #tpu.memory_space<vmem>>[vector<16xi32>, vector<16xi32>], vector<16xf32>,
      %mul3A_260 = arith.mulf %gather3A_258, %gather3A_259 : vector<16xf32>
      %add3A_261 = arith.addf %add3A_255, %mul3A_260 : vector<16xf32>
      %broadcast_in_dim3A_262 = arith.constant 11 : i32
      %broadcast_in_dim3A_263 = vector.broadcast %broadcast_in_dim3A_262 : i32 to vector<16xi32>
      %gather3A_264 = tpu.vector_load_idx %arg9[%add3A_195, %broadcast_in_dim3A_263] : memref<512x64xf32, #tpu.memory_space<vmem>>[vector<16xi32>, vector<16xi32>], vector<16xf32>,
      %gather3A_265 = tpu.vector_load_idx %arg10[%add3A_195, %broadcast_in_dim3A_263] : memref<512x64xf32, #tpu.memory_space<vmem>>[vector<16xi32>, vector<16xi32>], vector<16xf32>,
      %mul3A_266 = arith.mulf %gather3A_264, %gather3A_265 : vector<16xf32>
      %add3A_267 = arith.addf %add3A_261, %mul3A_266 : vector<16xf32>
      %broadcast_in_dim3A_268 = arith.constant 12 : i32
      %broadcast_in_dim3A_269 = vector.broadcast %broadcast_in_dim3A_268 : i32 to vector<16xi32>
      %gather3A_270 = tpu.vector_load_idx %arg9[%add3A_195, %broadcast_in_dim3A_269] : memref<512x64xf32, #tpu.memory_space<vmem>>[vector<16xi32>, vector<16xi32>], vector<16xf32>,
      %gather3A_271 = tpu.vector_load_idx %arg10[%add3A_195, %broadcast_in_dim3A_269] : memref<512x64xf32, #tpu.memory_space<vmem>>[vector<16xi32>, vector<16xi32>], vector<16xf32>,
      %mul3A_272 = arith.mulf %gather3A_270, %gather3A_271 : vector<16xf32>
      %add3A_273 = arith.addf %add3A_267, %mul3A_272 : vector<16xf32>
      %broadcast_in_dim3A_274 = arith.constant 13 : i32
      %broadcast_in_dim3A_275 = vector.broadcast %broadcast_in_dim3A_274 : i32 to vector<16xi32>
      %gather3A_276 = tpu.vector_load_idx %arg9[%add3A_195, %broadcast_in_dim3A_275] : memref<512x64xf32, #tpu.memory_space<vmem>>[vector<16xi32>, vector<16xi32>], vector<16xf32>,
      %gather3A_277 = tpu.vector_load_idx %arg10[%add3A_195, %broadcast_in_dim3A_275] : memref<512x64xf32, #tpu.memory_space<vmem>>[vector<16xi32>, vector<16xi32>], vector<16xf32>,
      %mul3A_278 = arith.mulf %gather3A_276, %gather3A_277 : vector<16xf32>
      %add3A_279 = arith.addf %add3A_273, %mul3A_278 : vector<16xf32>
      %broadcast_in_dim3A_280 = arith.constant 14 : i32
      %broadcast_in_dim3A_281 = vector.broadcast %broadcast_in_dim3A_280 : i32 to vector<16xi32>
      %gather3A_282 = tpu.vector_load_idx %arg9[%add3A_195, %broadcast_in_dim3A_281] : memref<512x64xf32, #tpu.memory_space<vmem>>[vector<16xi32>, vector<16xi32>], vector<16xf32>,
      %gather3A_283 = tpu.vector_load_idx %arg10[%add3A_195, %broadcast_in_dim3A_281] : memref<512x64xf32, #tpu.memory_space<vmem>>[vector<16xi32>, vector<16xi32>], vector<16xf32>,
      %mul3A_284 = arith.mulf %gather3A_282, %gather3A_283 : vector<16xf32>
      %add3A_285 = arith.addf %add3A_279, %mul3A_284 : vector<16xf32>
      %broadcast_in_dim3A_286 = arith.constant 15 : i32
      %broadcast_in_dim3A_287 = vector.broadcast %broadcast_in_dim3A_286 : i32 to vector<16xi32>
      %gather3A_288 = tpu.vector_load_idx %arg9[%add3A_195, %broadcast_in_dim3A_287] : memref<512x64xf32, #tpu.memory_space<vmem>>[vector<16xi32>, vector<16xi32>], vector<16xf32>,
      %gather3A_289 = tpu.vector_load_idx %arg10[%add3A_195, %broadcast_in_dim3A_287] : memref<512x64xf32, #tpu.memory_space<vmem>>[vector<16xi32>, vector<16xi32>], vector<16xf32>,
      %mul3A_290 = arith.mulf %gather3A_288, %gather3A_289 : vector<16xf32>
      %add3A_291 = arith.addf %add3A_285, %mul3A_290 : vector<16xf32>
      %broadcast_in_dim3A_292 = arith.constant 16 : i32
      %broadcast_in_dim3A_293 = vector.broadcast %broadcast_in_dim3A_292 : i32 to vector<16xi32>
      %gather3A_294 = tpu.vector_load_idx %arg9[%add3A_195, %broadcast_in_dim3A_293] : memref<512x64xf32, #tpu.memory_space<vmem>>[vector<16xi32>, vector<16xi32>], vector<16xf32>,
      %gather3A_295 = tpu.vector_load_idx %arg10[%add3A_195, %broadcast_in_dim3A_293] : memref<512x64xf32, #tpu.memory_space<vmem>>[vector<16xi32>, vector<16xi32>], vector<16xf32>,
      %mul3A_296 = arith.mulf %gather3A_294, %gather3A_295 : vector<16xf32>
      %add3A_297 = arith.addf %add3A_291, %mul3A_296 : vector<16xf32>
      %broadcast_in_dim3A_298 = arith.constant 17 : i32
      %broadcast_in_dim3A_299 = vector.broadcast %broadcast_in_dim3A_298 : i32 to vector<16xi32>
      %gather3A_300 = tpu.vector_load_idx %arg9[%add3A_195, %broadcast_in_dim3A_299] : memref<512x64xf32, #tpu.memory_space<vmem>>[vector<16xi32>, vector<16xi32>], vector<16xf32>,
      %gather3A_301 = tpu.vector_load_idx %arg10[%add3A_195, %broadcast_in_dim3A_299] : memref<512x64xf32, #tpu.memory_space<vmem>>[vector<16xi32>, vector<16xi32>], vector<16xf32>,
      %mul3A_302 = arith.mulf %gather3A_300, %gather3A_301 : vector<16xf32>
      %add3A_303 = arith.addf %add3A_297, %mul3A_302 : vector<16xf32>
      %broadcast_in_dim3A_304 = arith.constant 18 : i32
      %broadcast_in_dim3A_305 = vector.broadcast %broadcast_in_dim3A_304 : i32 to vector<16xi32>
      %gather3A_306 = tpu.vector_load_idx %arg9[%add3A_195, %broadcast_in_dim3A_305] : memref<512x64xf32, #tpu.memory_space<vmem>>[vector<16xi32>, vector<16xi32>], vector<16xf32>,
      %gather3A_307 = tpu.vector_load_idx %arg10[%add3A_195, %broadcast_in_dim3A_305] : memref<512x64xf32, #tpu.memory_space<vmem>>[vector<16xi32>, vector<16xi32>], vector<16xf32>,
      %mul3A_308 = arith.mulf %gather3A_306, %gather3A_307 : vector<16xf32>
      %add3A_309 = arith.addf %add3A_303, %mul3A_308 : vector<16xf32>
      %broadcast_in_dim3A_310 = arith.constant 19 : i32
      %broadcast_in_dim3A_311 = vector.broadcast %broadcast_in_dim3A_310 : i32 to vector<16xi32>
      %gather3A_312 = tpu.vector_load_idx %arg9[%add3A_195, %broadcast_in_dim3A_311] : memref<512x64xf32, #tpu.memory_space<vmem>>[vector<16xi32>, vector<16xi32>], vector<16xf32>,
      %gather3A_313 = tpu.vector_load_idx %arg10[%add3A_195, %broadcast_in_dim3A_311] : memref<512x64xf32, #tpu.memory_space<vmem>>[vector<16xi32>, vector<16xi32>], vector<16xf32>,
      %mul3A_314 = arith.mulf %gather3A_312, %gather3A_313 : vector<16xf32>
      %add3A_315 = arith.addf %add3A_309, %mul3A_314 : vector<16xf32>
      %broadcast_in_dim3A_316 = arith.constant 20 : i32
      %broadcast_in_dim3A_317 = vector.broadcast %broadcast_in_dim3A_316 : i32 to vector<16xi32>
      %gather3A_318 = tpu.vector_load_idx %arg9[%add3A_195, %broadcast_in_dim3A_317] : memref<512x64xf32, #tpu.memory_space<vmem>>[vector<16xi32>, vector<16xi32>], vector<16xf32>,
      %gather3A_319 = tpu.vector_load_idx %arg10[%add3A_195, %broadcast_in_dim3A_317] : memref<512x64xf32, #tpu.memory_space<vmem>>[vector<16xi32>, vector<16xi32>], vector<16xf32>,
      %mul3A_320 = arith.mulf %gather3A_318, %gather3A_319 : vector<16xf32>
      %add3A_321 = arith.addf %add3A_315, %mul3A_320 : vector<16xf32>
      %broadcast_in_dim3A_322 = arith.constant 21 : i32
      %broadcast_in_dim3A_323 = vector.broadcast %broadcast_in_dim3A_322 : i32 to vector<16xi32>
      %gather3A_324 = tpu.vector_load_idx %arg9[%add3A_195, %broadcast_in_dim3A_323] : memref<512x64xf32, #tpu.memory_space<vmem>>[vector<16xi32>, vector<16xi32>], vector<16xf32>,
      %gather3A_325 = tpu.vector_load_idx %arg10[%add3A_195, %broadcast_in_dim3A_323] : memref<512x64xf32, #tpu.memory_space<vmem>>[vector<16xi32>, vector<16xi32>], vector<16xf32>,
      %mul3A_326 = arith.mulf %gather3A_324, %gather3A_325 : vector<16xf32>
      %add3A_327 = arith.addf %add3A_321, %mul3A_326 : vector<16xf32>
      %broadcast_in_dim3A_328 = arith.constant 22 : i32
      %broadcast_in_dim3A_329 = vector.broadcast %broadcast_in_dim3A_328 : i32 to vector<16xi32>
      %gather3A_330 = tpu.vector_load_idx %arg9[%add3A_195, %broadcast_in_dim3A_329] : memref<512x64xf32, #tpu.memory_space<vmem>>[vector<16xi32>, vector<16xi32>], vector<16xf32>,
      %gather3A_331 = tpu.vector_load_idx %arg10[%add3A_195, %broadcast_in_dim3A_329] : memref<512x64xf32, #tpu.memory_space<vmem>>[vector<16xi32>, vector<16xi32>], vector<16xf32>,
      %mul3A_332 = arith.mulf %gather3A_330, %gather3A_331 : vector<16xf32>
      %add3A_333 = arith.addf %add3A_327, %mul3A_332 : vector<16xf32>
      %broadcast_in_dim3A_334 = arith.constant 23 : i32
      %broadcast_in_dim3A_335 = vector.broadcast %broadcast_in_dim3A_334 : i32 to vector<16xi32>
      %gather3A_336 = tpu.vector_load_idx %arg9[%add3A_195, %broadcast_in_dim3A_335] : memref<512x64xf32, #tpu.memory_space<vmem>>[vector<16xi32>, vector<16xi32>], vector<16xf32>,
      %gather3A_337 = tpu.vector_load_idx %arg10[%add3A_195, %broadcast_in_dim3A_335] : memref<512x64xf32, #tpu.memory_space<vmem>>[vector<16xi32>, vector<16xi32>], vector<16xf32>,
      %mul3A_338 = arith.mulf %gather3A_336, %gather3A_337 : vector<16xf32>
      %add3A_339 = arith.addf %add3A_333, %mul3A_338 : vector<16xf32>
      %broadcast_in_dim3A_340 = arith.constant 24 : i32
      %broadcast_in_dim3A_341 = vector.broadcast %broadcast_in_dim3A_340 : i32 to vector<16xi32>
      %gather3A_342 = tpu.vector_load_idx %arg9[%add3A_195, %broadcast_in_dim3A_341] : memref<512x64xf32, #tpu.memory_space<vmem>>[vector<16xi32>, vector<16xi32>], vector<16xf32>,
      %gather3A_343 = tpu.vector_load_idx %arg10[%add3A_195, %broadcast_in_dim3A_341] : memref<512x64xf32, #tpu.memory_space<vmem>>[vector<16xi32>, vector<16xi32>], vector<16xf32>,
      %mul3A_344 = arith.mulf %gather3A_342, %gather3A_343 : vector<16xf32>
      %add3A_345 = arith.addf %add3A_339, %mul3A_344 : vector<16xf32>
      %broadcast_in_dim3A_346 = arith.constant 25 : i32
      %broadcast_in_dim3A_347 = vector.broadcast %broadcast_in_dim3A_346 : i32 to vector<16xi32>
      %gather3A_348 = tpu.vector_load_idx %arg9[%add3A_195, %broadcast_in_dim3A_347] : memref<512x64xf32, #tpu.memory_space<vmem>>[vector<16xi32>, vector<16xi32>], vector<16xf32>,
      %gather3A_349 = tpu.vector_load_idx %arg10[%add3A_195, %broadcast_in_dim3A_347] : memref<512x64xf32, #tpu.memory_space<vmem>>[vector<16xi32>, vector<16xi32>], vector<16xf32>,
      %mul3A_350 = arith.mulf %gather3A_348, %gather3A_349 : vector<16xf32>
      %add3A_351 = arith.addf %add3A_345, %mul3A_350 : vector<16xf32>
      %broadcast_in_dim3A_352 = arith.constant 26 : i32
      %broadcast_in_dim3A_353 = vector.broadcast %broadcast_in_dim3A_352 : i32 to vector<16xi32>
      %gather3A_354 = tpu.vector_load_idx %arg9[%add3A_195, %broadcast_in_dim3A_353] : memref<512x64xf32, #tpu.memory_space<vmem>>[vector<16xi32>, vector<16xi32>], vector<16xf32>,
      %gather3A_355 = tpu.vector_load_idx %arg10[%add3A_195, %broadcast_in_dim3A_353] : memref<512x64xf32, #tpu.memory_space<vmem>>[vector<16xi32>, vector<16xi32>], vector<16xf32>,
      %mul3A_356 = arith.mulf %gather3A_354, %gather3A_355 : vector<16xf32>
      %add3A_357 = arith.addf %add3A_351, %mul3A_356 : vector<16xf32>
      %broadcast_in_dim3A_358 = arith.constant 27 : i32
      %broadcast_in_dim3A_359 = vector.broadcast %broadcast_in_dim3A_358 : i32 to vector<16xi32>
      %gather3A_360 = tpu.vector_load_idx %arg9[%add3A_195, %broadcast_in_dim3A_359] : memref<512x64xf32, #tpu.memory_space<vmem>>[vector<16xi32>, vector<16xi32>], vector<16xf32>,
      %gather3A_361 = tpu.vector_load_idx %arg10[%add3A_195, %broadcast_in_dim3A_359] : memref<512x64xf32, #tpu.memory_space<vmem>>[vector<16xi32>, vector<16xi32>], vector<16xf32>,
      %mul3A_362 = arith.mulf %gather3A_360, %gather3A_361 : vector<16xf32>
      %add3A_363 = arith.addf %add3A_357, %mul3A_362 : vector<16xf32>
      %broadcast_in_dim3A_364 = arith.constant 28 : i32
      %broadcast_in_dim3A_365 = vector.broadcast %broadcast_in_dim3A_364 : i32 to vector<16xi32>
      %gather3A_366 = tpu.vector_load_idx %arg9[%add3A_195, %broadcast_in_dim3A_365] : memref<512x64xf32, #tpu.memory_space<vmem>>[vector<16xi32>, vector<16xi32>], vector<16xf32>,
      %gather3A_367 = tpu.vector_load_idx %arg10[%add3A_195, %broadcast_in_dim3A_365] : memref<512x64xf32, #tpu.memory_space<vmem>>[vector<16xi32>, vector<16xi32>], vector<16xf32>,
      %mul3A_368 = arith.mulf %gather3A_366, %gather3A_367 : vector<16xf32>
      %add3A_369 = arith.addf %add3A_363, %mul3A_368 : vector<16xf32>
      %broadcast_in_dim3A_370 = arith.constant 29 : i32
      %broadcast_in_dim3A_371 = vector.broadcast %broadcast_in_dim3A_370 : i32 to vector<16xi32>
      %gather3A_372 = tpu.vector_load_idx %arg9[%add3A_195, %broadcast_in_dim3A_371] : memref<512x64xf32, #tpu.memory_space<vmem>>[vector<16xi32>, vector<16xi32>], vector<16xf32>,
      %gather3A_373 = tpu.vector_load_idx %arg10[%add3A_195, %broadcast_in_dim3A_371] : memref<512x64xf32, #tpu.memory_space<vmem>>[vector<16xi32>, vector<16xi32>], vector<16xf32>,
      %mul3A_374 = arith.mulf %gather3A_372, %gather3A_373 : vector<16xf32>
      %add3A_375 = arith.addf %add3A_369, %mul3A_374 : vector<16xf32>
      %broadcast_in_dim3A_376 = arith.constant 30 : i32
      %broadcast_in_dim3A_377 = vector.broadcast %broadcast_in_dim3A_376 : i32 to vector<16xi32>
      %gather3A_378 = tpu.vector_load_idx %arg9[%add3A_195, %broadcast_in_dim3A_377] : memref<512x64xf32, #tpu.memory_space<vmem>>[vector<16xi32>, vector<16xi32>], vector<16xf32>,
      %gather3A_379 = tpu.vector_load_idx %arg10[%add3A_195, %broadcast_in_dim3A_377] : memref<512x64xf32, #tpu.memory_space<vmem>>[vector<16xi32>, vector<16xi32>], vector<16xf32>,
      %mul3A_380 = arith.mulf %gather3A_378, %gather3A_379 : vector<16xf32>
      %add3A_381 = arith.addf %add3A_375, %mul3A_380 : vector<16xf32>
      %broadcast_in_dim3A_382 = arith.constant 31 : i32
      %broadcast_in_dim3A_383 = vector.broadcast %broadcast_in_dim3A_382 : i32 to vector<16xi32>
      %gather3A_384 = tpu.vector_load_idx %arg9[%add3A_195, %broadcast_in_dim3A_383] : memref<512x64xf32, #tpu.memory_space<vmem>>[vector<16xi32>, vector<16xi32>], vector<16xf32>,
      %gather3A_385 = tpu.vector_load_idx %arg10[%add3A_195, %broadcast_in_dim3A_383] : memref<512x64xf32, #tpu.memory_space<vmem>>[vector<16xi32>, vector<16xi32>], vector<16xf32>,
      %mul3A_386 = arith.mulf %gather3A_384, %gather3A_385 : vector<16xf32>
      %add3A_387 = arith.addf %add3A_381, %mul3A_386 : vector<16xf32>
      %broadcast_in_dim3A_388 = arith.constant 32 : i32
      %broadcast_in_dim3A_389 = vector.broadcast %broadcast_in_dim3A_388 : i32 to vector<16xi32>
      %gather3A_390 = tpu.vector_load_idx %arg9[%add3A_195, %broadcast_in_dim3A_389] : memref<512x64xf32, #tpu.memory_space<vmem>>[vector<16xi32>, vector<16xi32>], vector<16xf32>,
      %gather3A_391 = tpu.vector_load_idx %arg10[%add3A_195, %broadcast_in_dim3A_389] : memref<512x64xf32, #tpu.memory_space<vmem>>[vector<16xi32>, vector<16xi32>], vector<16xf32>,
      %mul3A_392 = arith.mulf %gather3A_390, %gather3A_391 : vector<16xf32>
      %add3A_393 = arith.addf %add3A_387, %mul3A_392 : vector<16xf32>
      %broadcast_in_dim3A_394 = arith.constant 33 : i32
      %broadcast_in_dim3A_395 = vector.broadcast %broadcast_in_dim3A_394 : i32 to vector<16xi32>
      %gather3A_396 = tpu.vector_load_idx %arg9[%add3A_195, %broadcast_in_dim3A_395] : memref<512x64xf32, #tpu.memory_space<vmem>>[vector<16xi32>, vector<16xi32>], vector<16xf32>,
      %gather3A_397 = tpu.vector_load_idx %arg10[%add3A_195, %broadcast_in_dim3A_395] : memref<512x64xf32, #tpu.memory_space<vmem>>[vector<16xi32>, vector<16xi32>], vector<16xf32>,
      %mul3A_398 = arith.mulf %gather3A_396, %gather3A_397 : vector<16xf32>
      %add3A_399 = arith.addf %add3A_393, %mul3A_398 : vector<16xf32>
      %broadcast_in_dim3A_400 = arith.constant 34 : i32
      %broadcast_in_dim3A_401 = vector.broadcast %broadcast_in_dim3A_400 : i32 to vector<16xi32>
      %gather3A_402 = tpu.vector_load_idx %arg9[%add3A_195, %broadcast_in_dim3A_401] : memref<512x64xf32, #tpu.memory_space<vmem>>[vector<16xi32>, vector<16xi32>], vector<16xf32>,
      %gather3A_403 = tpu.vector_load_idx %arg10[%add3A_195, %broadcast_in_dim3A_401] : memref<512x64xf32, #tpu.memory_space<vmem>>[vector<16xi32>, vector<16xi32>], vector<16xf32>,
      %mul3A_404 = arith.mulf %gather3A_402, %gather3A_403 : vector<16xf32>
      %add3A_405 = arith.addf %add3A_399, %mul3A_404 : vector<16xf32>
      %broadcast_in_dim3A_406 = arith.constant 35 : i32
      %broadcast_in_dim3A_407 = vector.broadcast %broadcast_in_dim3A_406 : i32 to vector<16xi32>
      %gather3A_408 = tpu.vector_load_idx %arg9[%add3A_195, %broadcast_in_dim3A_407] : memref<512x64xf32, #tpu.memory_space<vmem>>[vector<16xi32>, vector<16xi32>], vector<16xf32>,
      %gather3A_409 = tpu.vector_load_idx %arg10[%add3A_195, %broadcast_in_dim3A_407] : memref<512x64xf32, #tpu.memory_space<vmem>>[vector<16xi32>, vector<16xi32>], vector<16xf32>,
      %mul3A_410 = arith.mulf %gather3A_408, %gather3A_409 : vector<16xf32>
      %add3A_411 = arith.addf %add3A_405, %mul3A_410 : vector<16xf32>
      %broadcast_in_dim3A_412 = arith.constant 36 : i32
      %broadcast_in_dim3A_413 = vector.broadcast %broadcast_in_dim3A_412 : i32 to vector<16xi32>
      %gather3A_414 = tpu.vector_load_idx %arg9[%add3A_195, %broadcast_in_dim3A_413] : memref<512x64xf32, #tpu.memory_space<vmem>>[vector<16xi32>, vector<16xi32>], vector<16xf32>,
      %gather3A_415 = tpu.vector_load_idx %arg10[%add3A_195, %broadcast_in_dim3A_413] : memref<512x64xf32, #tpu.memory_space<vmem>>[vector<16xi32>, vector<16xi32>], vector<16xf32>,
      %mul3A_416 = arith.mulf %gather3A_414, %gather3A_415 : vector<16xf32>
      %add3A_417 = arith.addf %add3A_411, %mul3A_416 : vector<16xf32>
      %broadcast_in_dim3A_418 = arith.constant 37 : i32
      %broadcast_in_dim3A_419 = vector.broadcast %broadcast_in_dim3A_418 : i32 to vector<16xi32>
      %gather3A_420 = tpu.vector_load_idx %arg9[%add3A_195, %broadcast_in_dim3A_419] : memref<512x64xf32, #tpu.memory_space<vmem>>[vector<16xi32>, vector<16xi32>], vector<16xf32>,
      %gather3A_421 = tpu.vector_load_idx %arg10[%add3A_195, %broadcast_in_dim3A_419] : memref<512x64xf32, #tpu.memory_space<vmem>>[vector<16xi32>, vector<16xi32>], vector<16xf32>,
      %mul3A_422 = arith.mulf %gather3A_420, %gather3A_421 : vector<16xf32>
      %add3A_423 = arith.addf %add3A_417, %mul3A_422 : vector<16xf32>
      %broadcast_in_dim3A_424 = arith.constant 38 : i32
      %broadcast_in_dim3A_425 = vector.broadcast %broadcast_in_dim3A_424 : i32 to vector<16xi32>
      %gather3A_426 = tpu.vector_load_idx %arg9[%add3A_195, %broadcast_in_dim3A_425] : memref<512x64xf32, #tpu.memory_space<vmem>>[vector<16xi32>, vector<16xi32>], vector<16xf32>,
      %gather3A_427 = tpu.vector_load_idx %arg10[%add3A_195, %broadcast_in_dim3A_425] : memref<512x64xf32, #tpu.memory_space<vmem>>[vector<16xi32>, vector<16xi32>], vector<16xf32>,
      %mul3A_428 = arith.mulf %gather3A_426, %gather3A_427 : vector<16xf32>
      %add3A_429 = arith.addf %add3A_423, %mul3A_428 : vector<16xf32>
      %broadcast_in_dim3A_430 = arith.constant 39 : i32
      %broadcast_in_dim3A_431 = vector.broadcast %broadcast_in_dim3A_430 : i32 to vector<16xi32>
      %gather3A_432 = tpu.vector_load_idx %arg9[%add3A_195, %broadcast_in_dim3A_431] : memref<512x64xf32, #tpu.memory_space<vmem>>[vector<16xi32>, vector<16xi32>], vector<16xf32>,
      %gather3A_433 = tpu.vector_load_idx %arg10[%add3A_195, %broadcast_in_dim3A_431] : memref<512x64xf32, #tpu.memory_space<vmem>>[vector<16xi32>, vector<16xi32>], vector<16xf32>,
      %mul3A_434 = arith.mulf %gather3A_432, %gather3A_433 : vector<16xf32>
      %add3A_435 = arith.addf %add3A_429, %mul3A_434 : vector<16xf32>
      %broadcast_in_dim3A_436 = arith.constant 40 : i32
      %broadcast_in_dim3A_437 = vector.broadcast %broadcast_in_dim3A_436 : i32 to vector<16xi32>
      %gather3A_438 = tpu.vector_load_idx %arg9[%add3A_195, %broadcast_in_dim3A_437] : memref<512x64xf32, #tpu.memory_space<vmem>>[vector<16xi32>, vector<16xi32>], vector<16xf32>,
      %gather3A_439 = tpu.vector_load_idx %arg10[%add3A_195, %broadcast_in_dim3A_437] : memref<512x64xf32, #tpu.memory_space<vmem>>[vector<16xi32>, vector<16xi32>], vector<16xf32>,
      %mul3A_440 = arith.mulf %gather3A_438, %gather3A_439 : vector<16xf32>
      %add3A_441 = arith.addf %add3A_435, %mul3A_440 : vector<16xf32>
      %broadcast_in_dim3A_442 = arith.constant 41 : i32
      %broadcast_in_dim3A_443 = vector.broadcast %broadcast_in_dim3A_442 : i32 to vector<16xi32>
      %gather3A_444 = tpu.vector_load_idx %arg9[%add3A_195, %broadcast_in_dim3A_443] : memref<512x64xf32, #tpu.memory_space<vmem>>[vector<16xi32>, vector<16xi32>], vector<16xf32>,
      %gather3A_445 = tpu.vector_load_idx %arg10[%add3A_195, %broadcast_in_dim3A_443] : memref<512x64xf32, #tpu.memory_space<vmem>>[vector<16xi32>, vector<16xi32>], vector<16xf32>,
      %mul3A_446 = arith.mulf %gather3A_444, %gather3A_445 : vector<16xf32>
      %add3A_447 = arith.addf %add3A_441, %mul3A_446 : vector<16xf32>
      %broadcast_in_dim3A_448 = arith.constant 42 : i32
      %broadcast_in_dim3A_449 = vector.broadcast %broadcast_in_dim3A_448 : i32 to vector<16xi32>
      %gather3A_450 = tpu.vector_load_idx %arg9[%add3A_195, %broadcast_in_dim3A_449] : memref<512x64xf32, #tpu.memory_space<vmem>>[vector<16xi32>, vector<16xi32>], vector<16xf32>,
      %gather3A_451 = tpu.vector_load_idx %arg10[%add3A_195, %broadcast_in_dim3A_449] : memref<512x64xf32, #tpu.memory_space<vmem>>[vector<16xi32>, vector<16xi32>], vector<16xf32>,
      %mul3A_452 = arith.mulf %gather3A_450, %gather3A_451 : vector<16xf32>
      %add3A_453 = arith.addf %add3A_447, %mul3A_452 : vector<16xf32>
      %broadcast_in_dim3A_454 = arith.constant 43 : i32
      %broadcast_in_dim3A_455 = vector.broadcast %broadcast_in_dim3A_454 : i32 to vector<16xi32>
      %gather3A_456 = tpu.vector_load_idx %arg9[%add3A_195, %broadcast_in_dim3A_455] : memref<512x64xf32, #tpu.memory_space<vmem>>[vector<16xi32>, vector<16xi32>], vector<16xf32>,
      %gather3A_457 = tpu.vector_load_idx %arg10[%add3A_195, %broadcast_in_dim3A_455] : memref<512x64xf32, #tpu.memory_space<vmem>>[vector<16xi32>, vector<16xi32>], vector<16xf32>,
      %mul3A_458 = arith.mulf %gather3A_456, %gather3A_457 : vector<16xf32>
      %add3A_459 = arith.addf %add3A_453, %mul3A_458 : vector<16xf32>
      %broadcast_in_dim3A_460 = arith.constant 44 : i32
      %broadcast_in_dim3A_461 = vector.broadcast %broadcast_in_dim3A_460 : i32 to vector<16xi32>
      %gather3A_462 = tpu.vector_load_idx %arg9[%add3A_195, %broadcast_in_dim3A_461] : memref<512x64xf32, #tpu.memory_space<vmem>>[vector<16xi32>, vector<16xi32>], vector<16xf32>,
      %gather3A_463 = tpu.vector_load_idx %arg10[%add3A_195, %broadcast_in_dim3A_461] : memref<512x64xf32, #tpu.memory_space<vmem>>[vector<16xi32>, vector<16xi32>], vector<16xf32>,
      %mul3A_464 = arith.mulf %gather3A_462, %gather3A_463 : vector<16xf32>
      %add3A_465 = arith.addf %add3A_459, %mul3A_464 : vector<16xf32>
      %broadcast_in_dim3A_466 = arith.constant 45 : i32
      %broadcast_in_dim3A_467 = vector.broadcast %broadcast_in_dim3A_466 : i32 to vector<16xi32>
      %gather3A_468 = tpu.vector_load_idx %arg9[%add3A_195, %broadcast_in_dim3A_467] : memref<512x64xf32, #tpu.memory_space<vmem>>[vector<16xi32>, vector<16xi32>], vector<16xf32>,
      %gather3A_469 = tpu.vector_load_idx %arg10[%add3A_195, %broadcast_in_dim3A_467] : memref<512x64xf32, #tpu.memory_space<vmem>>[vector<16xi32>, vector<16xi32>], vector<16xf32>,
      %mul3A_470 = arith.mulf %gather3A_468, %gather3A_469 : vector<16xf32>
      %add3A_471 = arith.addf %add3A_465, %mul3A_470 : vector<16xf32>
      %broadcast_in_dim3A_472 = arith.constant 46 : i32
      %broadcast_in_dim3A_473 = vector.broadcast %broadcast_in_dim3A_472 : i32 to vector<16xi32>
      %gather3A_474 = tpu.vector_load_idx %arg9[%add3A_195, %broadcast_in_dim3A_473] : memref<512x64xf32, #tpu.memory_space<vmem>>[vector<16xi32>, vector<16xi32>], vector<16xf32>,
      %gather3A_475 = tpu.vector_load_idx %arg10[%add3A_195, %broadcast_in_dim3A_473] : memref<512x64xf32, #tpu.memory_space<vmem>>[vector<16xi32>, vector<16xi32>], vector<16xf32>,
      %mul3A_476 = arith.mulf %gather3A_474, %gather3A_475 : vector<16xf32>
      %add3A_477 = arith.addf %add3A_471, %mul3A_476 : vector<16xf32>
      %broadcast_in_dim3A_478 = arith.constant 47 : i32
      %broadcast_in_dim3A_479 = vector.broadcast %broadcast_in_dim3A_478 : i32 to vector<16xi32>
      %gather3A_480 = tpu.vector_load_idx %arg9[%add3A_195, %broadcast_in_dim3A_479] : memref<512x64xf32, #tpu.memory_space<vmem>>[vector<16xi32>, vector<16xi32>], vector<16xf32>,
      %gather3A_481 = tpu.vector_load_idx %arg10[%add3A_195, %broadcast_in_dim3A_479] : memref<512x64xf32, #tpu.memory_space<vmem>>[vector<16xi32>, vector<16xi32>], vector<16xf32>,
      %mul3A_482 = arith.mulf %gather3A_480, %gather3A_481 : vector<16xf32>
      %add3A_483 = arith.addf %add3A_477, %mul3A_482 : vector<16xf32>
      %broadcast_in_dim3A_484 = arith.constant 48 : i32
      %broadcast_in_dim3A_485 = vector.broadcast %broadcast_in_dim3A_484 : i32 to vector<16xi32>
      %gather3A_486 = tpu.vector_load_idx %arg9[%add3A_195, %broadcast_in_dim3A_485] : memref<512x64xf32, #tpu.memory_space<vmem>>[vector<16xi32>, vector<16xi32>], vector<16xf32>,
      %gather3A_487 = tpu.vector_load_idx %arg10[%add3A_195, %broadcast_in_dim3A_485] : memref<512x64xf32, #tpu.memory_space<vmem>>[vector<16xi32>, vector<16xi32>], vector<16xf32>,
      %mul3A_488 = arith.mulf %gather3A_486, %gather3A_487 : vector<16xf32>
      %add3A_489 = arith.addf %add3A_483, %mul3A_488 : vector<16xf32>
      %broadcast_in_dim3A_490 = arith.constant 49 : i32
      %broadcast_in_dim3A_491 = vector.broadcast %broadcast_in_dim3A_490 : i32 to vector<16xi32>
      %gather3A_492 = tpu.vector_load_idx %arg9[%add3A_195, %broadcast_in_dim3A_491] : memref<512x64xf32, #tpu.memory_space<vmem>>[vector<16xi32>, vector<16xi32>], vector<16xf32>,
      %gather3A_493 = tpu.vector_load_idx %arg10[%add3A_195, %broadcast_in_dim3A_491] : memref<512x64xf32, #tpu.memory_space<vmem>>[vector<16xi32>, vector<16xi32>], vector<16xf32>,
      %mul3A_494 = arith.mulf %gather3A_492, %gather3A_493 : vector<16xf32>
      %add3A_495 = arith.addf %add3A_489, %mul3A_494 : vector<16xf32>
      %broadcast_in_dim3A_496 = arith.constant 50 : i32
      %broadcast_in_dim3A_497 = vector.broadcast %broadcast_in_dim3A_496 : i32 to vector<16xi32>
      %gather3A_498 = tpu.vector_load_idx %arg9[%add3A_195, %broadcast_in_dim3A_497] : memref<512x64xf32, #tpu.memory_space<vmem>>[vector<16xi32>, vector<16xi32>], vector<16xf32>,
      %gather3A_499 = tpu.vector_load_idx %arg10[%add3A_195, %broadcast_in_dim3A_497] : memref<512x64xf32, #tpu.memory_space<vmem>>[vector<16xi32>, vector<16xi32>], vector<16xf32>,
      %mul3A_500 = arith.mulf %gather3A_498, %gather3A_499 : vector<16xf32>
      %add3A_501 = arith.addf %add3A_495, %mul3A_500 : vector<16xf32>
      %broadcast_in_dim3A_502 = arith.constant 51 : i32
      %broadcast_in_dim3A_503 = vector.broadcast %broadcast_in_dim3A_502 : i32 to vector<16xi32>
      %gather3A_504 = tpu.vector_load_idx %arg9[%add3A_195, %broadcast_in_dim3A_503] : memref<512x64xf32, #tpu.memory_space<vmem>>[vector<16xi32>, vector<16xi32>], vector<16xf32>,
      %gather3A_505 = tpu.vector_load_idx %arg10[%add3A_195, %broadcast_in_dim3A_503] : memref<512x64xf32, #tpu.memory_space<vmem>>[vector<16xi32>, vector<16xi32>], vector<16xf32>,
      %mul3A_506 = arith.mulf %gather3A_504, %gather3A_505 : vector<16xf32>
      %add3A_507 = arith.addf %add3A_501, %mul3A_506 : vector<16xf32>
      %broadcast_in_dim3A_508 = arith.constant 52 : i32
      %broadcast_in_dim3A_509 = vector.broadcast %broadcast_in_dim3A_508 : i32 to vector<16xi32>
      %gather3A_510 = tpu.vector_load_idx %arg9[%add3A_195, %broadcast_in_dim3A_509] : memref<512x64xf32, #tpu.memory_space<vmem>>[vector<16xi32>, vector<16xi32>], vector<16xf32>,
      %gather3A_511 = tpu.vector_load_idx %arg10[%add3A_195, %broadcast_in_dim3A_509] : memref<512x64xf32, #tpu.memory_space<vmem>>[vector<16xi32>, vector<16xi32>], vector<16xf32>,
      %mul3A_512 = arith.mulf %gather3A_510, %gather3A_511 : vector<16xf32>
      %add3A_513 = arith.addf %add3A_507, %mul3A_512 : vector<16xf32>
      %broadcast_in_dim3A_514 = arith.constant 53 : i32
      %broadcast_in_dim3A_515 = vector.broadcast %broadcast_in_dim3A_514 : i32 to vector<16xi32>
      %gather3A_516 = tpu.vector_load_idx %arg9[%add3A_195, %broadcast_in_dim3A_515] : memref<512x64xf32, #tpu.memory_space<vmem>>[vector<16xi32>, vector<16xi32>], vector<16xf32>,
      %gather3A_517 = tpu.vector_load_idx %arg10[%add3A_195, %broadcast_in_dim3A_515] : memref<512x64xf32, #tpu.memory_space<vmem>>[vector<16xi32>, vector<16xi32>], vector<16xf32>,
      %mul3A_518 = arith.mulf %gather3A_516, %gather3A_517 : vector<16xf32>
      %add3A_519 = arith.addf %add3A_513, %mul3A_518 : vector<16xf32>
      %broadcast_in_dim3A_520 = arith.constant 54 : i32
      %broadcast_in_dim3A_521 = vector.broadcast %broadcast_in_dim3A_520 : i32 to vector<16xi32>
      %gather3A_522 = tpu.vector_load_idx %arg9[%add3A_195, %broadcast_in_dim3A_521] : memref<512x64xf32, #tpu.memory_space<vmem>>[vector<16xi32>, vector<16xi32>], vector<16xf32>,
      %gather3A_523 = tpu.vector_load_idx %arg10[%add3A_195, %broadcast_in_dim3A_521] : memref<512x64xf32, #tpu.memory_space<vmem>>[vector<16xi32>, vector<16xi32>], vector<16xf32>,
      %mul3A_524 = arith.mulf %gather3A_522, %gather3A_523 : vector<16xf32>
      %add3A_525 = arith.addf %add3A_519, %mul3A_524 : vector<16xf32>
      %broadcast_in_dim3A_526 = arith.constant 55 : i32
      %broadcast_in_dim3A_527 = vector.broadcast %broadcast_in_dim3A_526 : i32 to vector<16xi32>
      %gather3A_528 = tpu.vector_load_idx %arg9[%add3A_195, %broadcast_in_dim3A_527] : memref<512x64xf32, #tpu.memory_space<vmem>>[vector<16xi32>, vector<16xi32>], vector<16xf32>,
      %gather3A_529 = tpu.vector_load_idx %arg10[%add3A_195, %broadcast_in_dim3A_527] : memref<512x64xf32, #tpu.memory_space<vmem>>[vector<16xi32>, vector<16xi32>], vector<16xf32>,
      %mul3A_530 = arith.mulf %gather3A_528, %gather3A_529 : vector<16xf32>
      %add3A_531 = arith.addf %add3A_525, %mul3A_530 : vector<16xf32>
      %broadcast_in_dim3A_532 = arith.constant 56 : i32
      %broadcast_in_dim3A_533 = vector.broadcast %broadcast_in_dim3A_532 : i32 to vector<16xi32>
      %gather3A_534 = tpu.vector_load_idx %arg9[%add3A_195, %broadcast_in_dim3A_533] : memref<512x64xf32, #tpu.memory_space<vmem>>[vector<16xi32>, vector<16xi32>], vector<16xf32>,
      %gather3A_535 = tpu.vector_load_idx %arg10[%add3A_195, %broadcast_in_dim3A_533] : memref<512x64xf32, #tpu.memory_space<vmem>>[vector<16xi32>, vector<16xi32>], vector<16xf32>,
      %mul3A_536 = arith.mulf %gather3A_534, %gather3A_535 : vector<16xf32>
      %add3A_537 = arith.addf %add3A_531, %mul3A_536 : vector<16xf32>
      %broadcast_in_dim3A_538 = arith.constant 57 : i32
      %broadcast_in_dim3A_539 = vector.broadcast %broadcast_in_dim3A_538 : i32 to vector<16xi32>
      %gather3A_540 = tpu.vector_load_idx %arg9[%add3A_195, %broadcast_in_dim3A_539] : memref<512x64xf32, #tpu.memory_space<vmem>>[vector<16xi32>, vector<16xi32>], vector<16xf32>,
      %gather3A_541 = tpu.vector_load_idx %arg10[%add3A_195, %broadcast_in_dim3A_539] : memref<512x64xf32, #tpu.memory_space<vmem>>[vector<16xi32>, vector<16xi32>], vector<16xf32>,
      %mul3A_542 = arith.mulf %gather3A_540, %gather3A_541 : vector<16xf32>
      %add3A_543 = arith.addf %add3A_537, %mul3A_542 : vector<16xf32>
      %broadcast_in_dim3A_544 = arith.constant 58 : i32
      %broadcast_in_dim3A_545 = vector.broadcast %broadcast_in_dim3A_544 : i32 to vector<16xi32>
      %gather3A_546 = tpu.vector_load_idx %arg9[%add3A_195, %broadcast_in_dim3A_545] : memref<512x64xf32, #tpu.memory_space<vmem>>[vector<16xi32>, vector<16xi32>], vector<16xf32>,
      %gather3A_547 = tpu.vector_load_idx %arg10[%add3A_195, %broadcast_in_dim3A_545] : memref<512x64xf32, #tpu.memory_space<vmem>>[vector<16xi32>, vector<16xi32>], vector<16xf32>,
      %mul3A_548 = arith.mulf %gather3A_546, %gather3A_547 : vector<16xf32>
      %add3A_549 = arith.addf %add3A_543, %mul3A_548 : vector<16xf32>
      %broadcast_in_dim3A_550 = arith.constant 59 : i32
      %broadcast_in_dim3A_551 = vector.broadcast %broadcast_in_dim3A_550 : i32 to vector<16xi32>
      %gather3A_552 = tpu.vector_load_idx %arg9[%add3A_195, %broadcast_in_dim3A_551] : memref<512x64xf32, #tpu.memory_space<vmem>>[vector<16xi32>, vector<16xi32>], vector<16xf32>,
      %gather3A_553 = tpu.vector_load_idx %arg10[%add3A_195, %broadcast_in_dim3A_551] : memref<512x64xf32, #tpu.memory_space<vmem>>[vector<16xi32>, vector<16xi32>], vector<16xf32>,
      %mul3A_554 = arith.mulf %gather3A_552, %gather3A_553 : vector<16xf32>
      %add3A_555 = arith.addf %add3A_549, %mul3A_554 : vector<16xf32>
      %broadcast_in_dim3A_556 = arith.constant 60 : i32
      %broadcast_in_dim3A_557 = vector.broadcast %broadcast_in_dim3A_556 : i32 to vector<16xi32>
      %gather3A_558 = tpu.vector_load_idx %arg9[%add3A_195, %broadcast_in_dim3A_557] : memref<512x64xf32, #tpu.memory_space<vmem>>[vector<16xi32>, vector<16xi32>], vector<16xf32>,
      %gather3A_559 = tpu.vector_load_idx %arg10[%add3A_195, %broadcast_in_dim3A_557] : memref<512x64xf32, #tpu.memory_space<vmem>>[vector<16xi32>, vector<16xi32>], vector<16xf32>,
      %mul3A_560 = arith.mulf %gather3A_558, %gather3A_559 : vector<16xf32>
      %add3A_561 = arith.addf %add3A_555, %mul3A_560 : vector<16xf32>
      %broadcast_in_dim3A_562 = arith.constant 61 : i32
      %broadcast_in_dim3A_563 = vector.broadcast %broadcast_in_dim3A_562 : i32 to vector<16xi32>
      %gather3A_564 = tpu.vector_load_idx %arg9[%add3A_195, %broadcast_in_dim3A_563] : memref<512x64xf32, #tpu.memory_space<vmem>>[vector<16xi32>, vector<16xi32>], vector<16xf32>,
      %gather3A_565 = tpu.vector_load_idx %arg10[%add3A_195, %broadcast_in_dim3A_563] : memref<512x64xf32, #tpu.memory_space<vmem>>[vector<16xi32>, vector<16xi32>], vector<16xf32>,
      %mul3A_566 = arith.mulf %gather3A_564, %gather3A_565 : vector<16xf32>
      %add3A_567 = arith.addf %add3A_561, %mul3A_566 : vector<16xf32>
      %broadcast_in_dim3A_568 = arith.constant 62 : i32
      %broadcast_in_dim3A_569 = vector.broadcast %broadcast_in_dim3A_568 : i32 to vector<16xi32>
      %gather3A_570 = tpu.vector_load_idx %arg9[%add3A_195, %broadcast_in_dim3A_569] : memref<512x64xf32, #tpu.memory_space<vmem>>[vector<16xi32>, vector<16xi32>], vector<16xf32>,
      %gather3A_571 = tpu.vector_load_idx %arg10[%add3A_195, %broadcast_in_dim3A_569] : memref<512x64xf32, #tpu.memory_space<vmem>>[vector<16xi32>, vector<16xi32>], vector<16xf32>,
      %mul3A_572 = arith.mulf %gather3A_570, %gather3A_571 : vector<16xf32>
      %add3A_573 = arith.addf %add3A_567, %mul3A_572 : vector<16xf32>
      %broadcast_in_dim3A_574 = arith.constant 63 : i32
      %broadcast_in_dim3A_575 = vector.broadcast %broadcast_in_dim3A_574 : i32 to vector<16xi32>
      %gather3A_576 = tpu.vector_load_idx %arg9[%add3A_195, %broadcast_in_dim3A_575] : memref<512x64xf32, #tpu.memory_space<vmem>>[vector<16xi32>, vector<16xi32>], vector<16xf32>,
      %gather3A_577 = tpu.vector_load_idx %arg10[%add3A_195, %broadcast_in_dim3A_575] : memref<512x64xf32, #tpu.memory_space<vmem>>[vector<16xi32>, vector<16xi32>], vector<16xf32>,
      %mul3A_578 = arith.mulf %gather3A_576, %gather3A_577 : vector<16xf32>
      %add3A_579 = arith.addf %add3A_573, %mul3A_578 : vector<16xf32>
      %mul3A_580 = arith.constant 16 : i32
      %mul3A_581 = arith.muli %scan3A_190, %mul3A_580 : i32
      %swap3A = arith.index_cast %mul3A_581 : i32 to index
      %swap3A_582 = tpu.vector_load %arg11[%swap3A] {strides = array<i32>} : memref<512xf32, #tpu.memory_space<vmem>>, vector<16xf32>,
      tpu.vector_store %arg11[%swap3A], %add3A_579 {strides = array<i32>} : memref<512xf32, #tpu.memory_space<vmem>>, vector<16xf32>,
      %scan3A_583 = arith.constant 0 : i32
      scf.yield %scan3A_583 : i32
    }
    %scan3A_189 = arith.constant 32 : i32
    "tpu.region"() ({
      %run_scoped3A_190 = tpu.sem_alloc : memref<!tpu.dma_semaphore, #tpu.memory_space<semaphore_mem>>
      %dma_start3A_191 = tpu.memref_slice %arg6[%mul3A_2] : memref<16384xf32, #tpu.memory_space<hbm>> -> memref<512xf32, #tpu.memory_space<hbm>>
      %dma_start3A_192 = tpu.memref_slice %arg6[%mul3A_2] : memref<16384xf32, #tpu.memory_space<hbm>> -> memref<512xf32, #tpu.memory_space<hbm>>
      tpu.enqueue_dma source(%arg11 : memref<512xf32, #tpu.memory_space<vmem>>) target(%dma_start3A_192 : memref<512xf32, #tpu.memory_space<hbm>>) target_semaphore(%run_scoped3A_190 : memref<!tpu.dma_semaphore, #tpu.memory_space<semaphore_mem>>)
      %dma_wait3A_193 = tpu.memref_slice %arg6[%mul3A_2] : memref<16384xf32, #tpu.memory_space<hbm>> -> memref<512xf32, #tpu.memory_space<hbm>>
      %dma_wait3A_194 = tpu.memref_slice %arg6[%mul3A_2] : memref<16384xf32, #tpu.memory_space<hbm>> -> memref<512xf32, #tpu.memory_space<hbm>>
      tpu.wait_dma2 semaphore(%run_scoped3A_190 : memref<!tpu.dma_semaphore, #tpu.memory_space<semaphore_mem>>) src(%arg11 : memref<512xf32, #tpu.memory_space<vmem>>) dst(%dma_wait3A_194 : memref<512xf32, #tpu.memory_space<hbm>>)
      tpu.yield
    }) : () -> ()
    return
  }
}

</mosaic_0001>

<sc_bundles>
// kernel: kernel.3.cloned.1.call-start
scs
__scs_entry_jumppad:
0x0: {  	(pc) =	sbr.rel $0x88, $3  }
0x1: {  	(tag) =	ssettag $0x0;
	lr =	simm.s32 $0x1  }
0x2: {  	[smem:$0x3F9D] =	sst lr;
	_ =	strace $0xD0000000  }
0x3: {  	_ = 	snop  }
0x4: {  	_ = 	snop  }
0x5: {  	_ = 	snop  }
0x6: {  	_ = 	snop  }
0x7: {  	_ = 	snop  }
__scs_overlays_trampoline_lowered:
0x8: {  	[smem:$0x3FAC] =	sst s0  }
0x9: {  	[smem:$0x3FAD] =	sst s1  }
0xa: {  	[smem:$0x3FAE] =	sst s2  }
0xb: {  	[smem:$0x3FAF] =	sst s3  }
0xc: {  	[smem:$0x3FB0] =	sst s4  }
0xd: {  	[smem:$0x3FB1] =	sst s5  }
0xe: {  	[smem:$0x3FB2] =	sst s6  }
0xf: {  	[smem:$0x3FB3] =	sst s7  }
0x10: {  	[smem:$0x3FB4] =	sst s8  }
0x11: {  	[smem:$0x3FB5] =	sst s9;
	s0 =	simm.s32 @!p0 $0x0  }
0x12: {  	s1 =	sld [smem:$0x3F9B];
	s0 =	simm.s32 @p0 $0x1  }
0x13: {  	[smem:$0x3FB6] =	sst s0;
	s0 =	simm.s32 @!p1 $0x0  }
0x14: {  	s2 =	sld [smem:$0x3F9A];
	s0 =	simm.s32 @p1 $0x1  }
0x15: {  	[smem:$0x3FB7] =	sst s0;
	s0 =	simm.s32 @!p2 $0x0  }
0x16: {  	s3 =	sld [smem:$0x3FDB];
	s0 =	simm.s32 @p2 $0x1  }
0x17: {  	s4 =	simm.s32 $0x1BF5;
	[smem:$0x3FB9] =	sst s0  }
0x18: {  	s0 =	sld [smem:$0x3F9C];
	_ =	swait.ge [sflag:s4], $0x0  }
0x19: {  	s7 =	sld [smem:$0x3F9D]  }
0x1a: {  	s8 =	sadd.s32 $0xFFFFE003, lr  }
0x1b: {  	s9 =	sadd.s32 $0xFFFFFEF7, lr;
	s5 =	simm.s32 $0xFFFFFFFF;
	p2 =	slt.u32 s8, $0xFFFFF086  }
0x1c: {  	p1 =	slt.u32 s9, $0xF7A;
	s5 =	simm.s32 @!p2 $0x0  }
0x1d: {  	s5 =	simm.s32 @p1 $0x1;
	p0 =	seq.s32 s7, s2  }
0x1e: {  	s7 =	smul.u32 @!p0 $0xF7A, s2;
	p2 =	seq.s32 @!p0 s5, $0x0  }
0x1f: {  	s9 =	smul.u32 $0xF7A, s1;
	s8 =	simm.s32 @!p0 $0x1BF5;
	p2 =	por !p2, p0  }
0x20: {  	[sflag:s8] =	ssyncset.s32 @!p0 $0xFFFFF086;
	s6 =	sadd.s32 @!p0 s3, s7;
	s7 =	simm.s32 @!p0 $0x108  }
0x21: {  	s3 =	sadd.s32 s3, s9;
	s6 =	sadd.s32 @!p0 $0x88, s6;
	s7 =	simm.s32 @p2 $0x1082  }
0x22: {  	[simem:s7], [sflag:s8] =	dma.local @!p0 [hbm:s6], $0xF7A  }
0x23: {  	s9 =	sor.u32 $0xD0000000, s2;
	s6 =	simm.s32 $0x108;
	_ =	swait.ge @!p0 [sflag:s8], $0x0  }
0x24: {  	s3 =	sadd.s32 $0x88, s3;
	s6 =	simm.s32 @!p1 $0x1082;
	[sflag:s4] =	ssyncset.s32 $0xFFFFF086  }
0x25: {  	[simem:s6], [sflag:s4] =	dma.local [hbm:s3], $0xF7A  }
0x26: {  	[smem:$0x3F9D] =	sst s1;
	(tag) =	ssettag s2;
	_ =	strace s9  }
0x27: {  	s1 =	sld [smem:$0x3FAD]  }
0x28: {  	s2 =	sld [smem:$0x3FAE]  }
0x29: {  	s4 =	sld [smem:$0x3FB0]  }
0x2a: {  	p0 =	seq.s32 s5, $0x0;
	s5 =	sld [smem:$0x3FB1]  }
0x2b: {  	s6 =	sld [smem:$0x3FB2]  }
0x2c: {  	s7 =	sld [smem:$0x3FB3]  }
0x2d: {  	s3 =	simm.s32 $0x108;
	s8 =	sld [smem:$0x3FB4]  }
0x2e: {  	s3 =	simm.s32 @!p0 $0x1082;
	s9 =	sld [smem:$0x3FB5]  }
0x2f: {  	lr =	sadd.s32 s0, s3;
	s0 =	sld [smem:$0x3FAC]  }
0x30: {  	s3 =	sld [smem:$0x3FAF]  }
0x31: {  	[smem:$0x3FB8] =	sst s10  }
0x32: {  	s10 =	sld [smem:$0x3FB6];
	_ =	sdelay $0x3  }
0x33: {  	p0 =	seq.s32 s10, $0x1;
	s10 =	sld [smem:$0x3FB8];
	_ =	sdelay $0x3  }
0x34: {  	[smem:$0x3FB8] =	sst s10  }
0x35: {  	s10 =	sld [smem:$0x3FB7];
	_ =	sdelay $0x3  }
0x36: {  	p1 =	seq.s32 s10, $0x1;
	s10 =	sld [smem:$0x3FB8];
	_ =	sdelay $0x3  }
0x37: {  	[smem:$0x3FB8] =	sst s10  }
0x38: {  	s10 =	sld [smem:$0x3FB9]  }
0x39: {  	_ = 	snop;
	(pc) =	sbr.ind lr, $3  }
0x3a: {  	_ = 	snop  }
0x3b: {  	_ = 	snop  }
0x3c: {  	p2 =	seq.s32 s10, $0x1;
	s10 =	sld [smem:$0x3FB8]  }
0x3d: {  	_ =	shalt  }
0x3e: {  	_ =	shalt  }
0x3f: {  	_ =	shalt  }
0x40: {  	_ =	shalt  }
0x41: {  	_ =	shalt  }
0x42: {  	_ =	shalt  }
0x43: {  	_ =	shalt  }
0x44: {  	_ =	shalt  }
0x45: {  	_ =	shalt  }
0x46: {  	_ =	shalt  }
0x47: {  	_ =	shalt  }
0x48: {  	_ =	shalt  }
0x49: {  	_ =	shalt  }
0x4a: {  	_ =	shalt  }
0x4b: {  	_ =	shalt  }
0x4c: {  	_ =	shalt  }
0x4d: {  	_ =	shalt  }
0x4e: {  	_ =	shalt  }
0x4f: {  	_ =	shalt  }
0x50: {  	_ =	shalt  }
0x51: {  	_ =	shalt  }
0x52: {  	_ =	shalt  }
0x53: {  	_ =	shalt  }
0x54: {  	_ =	shalt  }
0x55: {  	_ =	shalt  }
0x56: {  	_ =	shalt  }
0x57: {  	_ =	shalt  }
0x58: {  	_ =	shalt  }
0x59: {  	_ =	shalt  }
0x5a: {  	_ =	shalt  }
0x5b: {  	_ =	shalt  }
0x5c: {  	_ =	shalt  }
0x5d: {  	_ =	shalt  }
0x5e: {  	_ =	shalt  }
0x5f: {  	_ =	shalt  }
0x60: {  	_ =	shalt  }
0x61: {  	_ =	shalt  }
0x62: {  	_ =	shalt  }
0x63: {  	_ =	shalt  }
0x64: {  	_ =	shalt  }
0x65: {  	_ =	shalt  }
0x66: {  	_ =	shalt  }
0x67: {  	_ =	shalt  }
0x68: {  	_ =	shalt  }
0x69: {  	_ =	shalt  }
0x6a: {  	_ =	shalt  }
0x6b: {  	_ =	shalt  }
0x6c: {  	_ =	shalt  }
0x6d: {  	_ =	shalt  }
0x6e: {  	_ =	shalt  }
0x6f: {  	_ =	shalt  }
0x70: {  	_ =	shalt  }
0x71: {  	_ =	shalt  }
0x72: {  	_ =	shalt  }
0x73: {  	_ =	shalt  }
0x74: {  	_ =	shalt  }
0x75: {  	_ =	shalt  }
0x76: {  	_ =	shalt  }
0x77: {  	_ =	shalt  }
0x78: {  	_ =	shalt  }
0x79: {  	_ =	shalt  }
0x7a: {  	_ =	shalt  }
0x7b: {  	_ =	shalt  }
0x7c: {  	_ =	shalt  }
0x7d: {  	_ =	shalt  }
0x7e: {  	_ =	shalt  }
0x7f: {  	_ =	shalt  }
0x80: {  	_ =	shalt  }
0x81: {  	_ =	shalt  }
0x82: {  	_ =	shalt  }
0x83: {  	_ =	shalt  }
0x84: {  	_ =	shalt  }
0x85: {  	_ =	shalt  }
0x86: {  	_ =	shalt  }
0x87: {  	_ =	shalt  }
.Lfunc_end0:
.L_simem_size_0:
called_computation_lowered:
.L_overlay_start_0:
0x88: {  	s2 =	sld [smem:$0x3FD9]  }
0x89: {  	s3 =	sld [smem:$0x3FFE];
	_ =	sdelay $0x1  }
0x8a: {  	s1 =	srdreg.scid  }
0x8b: {  	s0 =	sand.u32 $0x1, s1  }
0x8c: {  	s17 =	sshll.u32 s0, $0xA;
	s2 =	sadd.s32 s3, s2  }
0x8d: {  	s2 =	sadd.s32 s2, s17  }
0x8e: {  	[smem:$0x3FC4] =	sst s2  }
0x8f: {  	_ = 	snop  }
0x90: {  	s2 =	sld [smem:$0x3FC9]  }
0x91: {  	s18 =	sld [smem:$0x3FC8]  }
0x92: {  	s4 =	sld [smem:$0x3FD0];
	(tm) =	ssettm $0x1  }
0x93: {  	s5 =	sld [smem:$0x3FFB];
	_ =	sdelay $0x3  }
0x94: {  	_ =	strace s5  }
0x95: {  	s5 =	sld [smem:$0x3FFC];
	_ =	sdelay $0x3  }
0x96: {  	_ =	strace s5  }
0x97: {  	s5 =	sld [smem:$0x3FFD];
	_ =	sdelay $0x3  }
0x98: {  	_ =	strace s5  }
0x99: {  	_ =	strace $0x8FFFFFFF  }
0x9a: {  	s19 =	sld [smem:$0x3FDB];
	_ =	sdelay $0x1  }
0x9b: {  	s6 =	simm.s32 $_scs_section_size  }
0x9c: {  	s7 =	simm.s32 $_size__tile_overlayer_lowered;
	s8 =	simm.s32 $_tile_overlayer_lowered  }
0x9d: {  	s22 =	simm.s32 $0x1BFF;
	s21 =	sshll.u32 s8, $0x1;
	s5 =	sadd.s32 s6, s19  }
0x9e: {  	s9 =	simm.s32 $0x0;
	s20 =	sshll.u32 s7, $0x1;
	s7 =	sadd.s32 s21, s5  }
0x9f: {  	[timem:s9], [sflag:s22] =	dma.local [hbm:s7], s20  }
0xa0: {  	_ =	swait.ge [sflag:s22], s20  }
0xa1: {  	s6 =	ssub.s32 $0x0, s20;
	[sflag:s22] =	ssyncset.done $0x0  }
0xa2: {  	[sflag:s22] =	ssyncadd.s32 s6;
	_ =	sdelay $0x1  }
0xa3: {  	s23 =	simm.s32 $0x1B8B  }
0xa4: {  	_ =	swait.ge [sflag:s23], $0x1  }
0xa5: {  	[sflag:s23] =	ssyncset.done $0x0  }
0xa6: {  	s25 =	simm.s32 $0x1B8E;
	s24 =	sld [smem:$0x3FFE];
	[sflag:s23] =	ssyncadd.s32 $0xFFFFFFFF  }
0xa7: {  	s26 =	simm.s32 $execute0_lowered;
	[smem:$0x3FD2] =	sst s25  }
0xa8: {  	s7 =	sshll.u32 s26, $0x1;
	_ =	strace $0x80000046;
	[dreg:$0x1] =	wrdreg $0xFFFFFFFF  }
0xa9: {  	s28 =	simm.s32 $_size_execute0_lowered;
	s5 =	sadd.s32 s5, s7;
	[dreg:$0x0] =	wrdreg $0x0  }
0xaa: {  	s7 =	sshll.u32 s28, $0x1;
	[dreg:$0x2] =	wrdreg s5  }
0xab: {  	[dreg:$0x3] =	wrdreg s7  }
0xac: {  	[dreg:$0x4] =	wrdreg $0xC0  }
0xad: {  	_ =	task [dreg:s9], $0x5FFFF  }
0xae: {  	[dreg:$0x1] =	wrdreg $0xFFFFFFFF  }
0xaf: {  	[dreg:$0x0] =	wrdreg $0x60  }
0xb0: {  	[dreg:$0x2] =	wrdreg s2  }
0xb1: {  	[dreg:$0x3] =	wrdreg s18  }
0xb2: {  	[dreg:$0x4] =	wrdreg s24  }
0xb3: {  	[dreg:$0x5] =	wrdreg s4  }
0xb4: {  	[dreg:$0x6] =	wrdreg $0x9  }
0xb5: {  	_ =	task.clear_ibuf [dreg:s9], $0x7FFFF;
	_ =	strace $0x90000046  }
0xb6: {  	s29 =	simm.s32 $0x9;
	_ =	strace $0x80000048  }
0xb7: {  	_ =	swait.ge [sflag:s29], $0x1  }
0xb8: {  	[sflag:s29] =	ssyncadd.s32 $0xFFFFFFFF  }
0xb9: {  	_ =	strace $0x90000048  }
0xba: {  	_ =	sfence  }
0xbb: {  	s30 =	sld [smem:$0x0];
	_ =	sdelay $0x2  }
0xbc: {  	s31 =	sshll.u32 s1, $0xD;
	s1 =	sshrl.u32 s1, $0x2  }
0xbd: {  	s3 =	sand.u32 $0x4000, s31;
	s1 =	sadd.s32 s1, s30  }
0xbe: {  	s0 =	sor.u32 s3, s0;
	s1 =	sshll.u32 s1, $0x11  }
0xbf: {  	s0 =	sor.u32 s1, s0  }
0xc0: {  	s0 =	sadd.s32 $0x8F2B, s0  }
0xc1: {  	[sflag:s0] =	ssyncadd.remote.s32 $0x1  }
0xc2: {  	_ =	sfence.sel $0xFFFF  }
0xc3: {  	[dreg:$0x0] =	wrdreg $0xFFFFFFFF;
	(pc) =	sbr.abs _section_cstart, $3  }
0xc4: {  	[dreg:$0x1] =	wrdreg $0xFFFFFFFF  }
0xc5: {  	_ =	task.clear_ibuf [dreg:s9], $0x2FFFF;
	_ =	strace $0x9FFFFFFF  }
0xc6: {  	(tm) =	ssettm $0x7FFFFFFF  }
0xc7: {  	_ =	shalt  }
tec
execute0_lowered:
.L_overlay_start_1:
0x0: {  	(tag) =	ssettag $0x1  }
0x1: {  	s0 =	rddreg [dreg:$0x0]  }
0x2: {  	s2 =	rddreg [dreg:$0x1]  }
0x3: {  	s4 =	rddreg [dreg:$0x2]  }
0x4: {  	s13 =	rddreg [dreg:$0x3];
	s1 =	simm.s32 $0x0  }
0x5: {  	s3 =	srdreg.scid;
	s8 =	stileid.u32;
	s16 =	simm.s32 $0x200  }
0x6: {  	s17 =	simm.s32 $0x80;
	s18 =	simm.s32 $0x280;
	s19 =	simm.s32 $0x100  }
0x7: {  	s20 =	simm.s32 $0x300;
	s21 =	simm.s32 $0x180;
	s22 =	simm.s32 $0x380  }
0x8: {  	s23 =	simm.s32 $0x400;
	s24 =	simm.s32 $0x8400;
	s30 =	simm.s32 $0x6400  }
0x9: {  	s31 =	simm.s32 $0xE400;
	s25 =	simm.s32 $0x10400;
	s26 =	simm.s32 $0x0  }
0xa: {  	[smem:$0x7FF] =	sst s1;
	s5 =	sand.u32 $0x1, s3;
	s3 =	sadd.s32 $0x188A00, s4  }
0xb: {  	s8 =	sshll.u32 s8, $0x7;
	s6 =	ssub.s32 $0x2, s5;
	s5 =	sshll.u32 s5, $0x6  }
0xc: {  	s4 =	sadd.s32 $0x24C000, s4;
	s7 =	sshrl.u32 s6, $0x1;
	s15 =	sor.u32 s5, s8  }
0xd: {  	_ =	strace $0x80000047;
	s14 =	ssub.s32 s6, s7;
	s5 =	sadd.s32 s0, s15  }
0xe: {  	s6 =	sadd.s32 s2, s15;
	s8 =	sor.u32 $0x10, s15;
	s10 =	sor.u32 $0x20, s15  }
0xf: {  	s12 =	sor.u32 $0x30, s15;
	s13 =	sadd.s32 s13, s15;
	s15 =	simm.s32 $0x3  }
0x10: {  	v0 =	vlaneseq.u32;
	s7 =	sadd.s32 s0, s8;
	s8 =	sadd.s32 s2, s8;
	s9 =	sadd.s32 s0, s10  }
0x11: {  	v0 =	vmul.u32 $0x40, v0;
	s10 =	sadd.s32 s2, s10;
	s11 =	sadd.s32 s0, s12;
	s12 =	sadd.s32 s2, s12  }
0x12: {  	s14 =	smax.u32 s14, $0x1;
	s0 =	simm.s32 $0x1;
	s2 =	simm.s32 $0x2  }
.LBB2_1:
0x13: {  	[tilespmem:s1], [sflag:$0x3] =	stream.linear.gather [hbm4b:s5+s1], $0x80, $0x38;
	[tilespmem:$0x10600] =	vst v63  }
0x14: {  	_ =	swait.ge [sflag:s15], $0x80  }
0x15: {  	[sflag:s15] =	ssyncset.done $0x0  }
0x16: {  	[sflag:s15] =	ssyncadd.s32 $0xFFFFFF80  }
0x17: {  	[tilespmem:s16], [sflag:$0x3] =	stream.linear.gather [hbm4b:s6+s1], $0x80, $0x38;
	[tilespmem:$0x10600] =	vst v63  }
0x18: {  	_ =	swait.ge [sflag:s15], $0x80  }
0x19: {  	[sflag:s15] =	ssyncset.done $0x0  }
0x1a: {  	[sflag:s15] =	ssyncadd.s32 $0xFFFFFF80  }
0x1b: {  	[tilespmem:s17], [sflag:$0x3] =	stream.linear.gather [hbm4b:s7+s1], $0x80, $0x38;
	[tilespmem:$0x10600] =	vst v63  }
0x1c: {  	_ =	swait.ge [sflag:s15], $0x80  }
0x1d: {  	[sflag:s15] =	ssyncset.done $0x0  }
0x1e: {  	[sflag:s15] =	ssyncadd.s32 $0xFFFFFF80  }
0x1f: {  	[tilespmem:s18], [sflag:$0x3] =	stream.linear.gather [hbm4b:s8+s1], $0x80, $0x38;
	[tilespmem:$0x10600] =	vst v63  }
0x20: {  	_ =	swait.ge [sflag:s15], $0x80  }
0x21: {  	[sflag:s15] =	ssyncset.done $0x0  }
0x22: {  	[sflag:s15] =	ssyncadd.s32 $0xFFFFFF80  }
0x23: {  	[tilespmem:s19], [sflag:$0x3] =	stream.linear.gather [hbm4b:s9+s1], $0x80, $0x38;
	[tilespmem:$0x10600] =	vst v63  }
0x24: {  	_ =	swait.ge [sflag:s15], $0x80  }
0x25: {  	[sflag:s15] =	ssyncset.done $0x0  }
0x26: {  	[sflag:s15] =	ssyncadd.s32 $0xFFFFFF80  }
0x27: {  	[tilespmem:s20], [sflag:$0x3] =	stream.linear.gather [hbm4b:s10+s1], $0x80, $0x38;
	[tilespmem:$0x10600] =	vst v63  }
0x28: {  	_ =	swait.ge [sflag:s15], $0x80  }
0x29: {  	[sflag:s15] =	ssyncset.done $0x0  }
0x2a: {  	[sflag:s15] =	ssyncadd.s32 $0xFFFFFF80  }
0x2b: {  	[tilespmem:s21], [sflag:$0x3] =	stream.linear.gather [hbm4b:s11+s1], $0x80, $0x38;
	[tilespmem:$0x10600] =	vst v63  }
0x2c: {  	_ =	swait.ge [sflag:s15], $0x80  }
0x2d: {  	[sflag:s15] =	ssyncset.done $0x0  }
0x2e: {  	[sflag:s15] =	ssyncadd.s32 $0xFFFFFF80  }
0x2f: {  	[tilespmem:s22], [sflag:$0x3] =	stream.linear.gather [hbm4b:s12+s1], $0x80, $0x38;
	[tilespmem:$0x10600] =	vst v63  }
0x30: {  	_ =	swait.ge [sflag:s15], $0x80  }
0x31: {  	[sflag:s15] =	ssyncset.done $0x0  }
0x32: {  	[sflag:s15] =	ssyncadd.s32 $0xFFFFFF80  }
0x33: {  	[tilespmem:s23], [sflag:$0x1] =	stream.indirect.gather [hbm4b:s3+s17], $0x40, s1, s17, $0xb8;
	[tilespmem:$0x10600] =	vst v63  }
0x34: {  	_ = 	snop  }
0x35: {  	[tilespmem:s24], [sflag:$0x2] =	stream.indirect.gather [hbm4b:s4+s17], $0x40, s16, s17, $0xb8;
	[tilespmem:$0x10600] =	vst v63  }
0x36: {  	s28 =	simm.s32 $0x2400  }
0x37: {  	[tilespmem:s28], [sflag:$0x1] =	stream.indirect.gather [hbm4b:s3+s17], $0x40, s17, s17, $0xb8;
	[tilespmem:$0x10600] =	vst v63  }
0x38: {  	s28 =	simm.s32 $0xA400  }
0x39: {  	[tilespmem:s28], [sflag:$0x2] =	stream.indirect.gather [hbm4b:s4+s17], $0x40, s18, s17, $0xb8;
	[tilespmem:$0x10600] =	vst v63  }
0x3a: {  	s28 =	simm.s32 $0x4400  }
0x3b: {  	[tilespmem:s28], [sflag:$0x1] =	stream.indirect.gather [hbm4b:s3+s17], $0x40, s19, s17, $0xb8;
	[tilespmem:$0x10600] =	vst v63  }
0x3c: {  	s28 =	simm.s32 $0xC400  }
0x3d: {  	[tilespmem:s28], [sflag:$0x2] =	stream.indirect.gather [hbm4b:s4+s17], $0x40, s20, s17, $0xb8;
	[tilespmem:$0x10600] =	vst v63  }
0x3e: {  	_ = 	snop  }
0x3f: {  	[tilespmem:s30], [sflag:$0x1] =	stream.indirect.gather [hbm4b:s3+s17], $0x40, s21, s17, $0xb8;
	[tilespmem:$0x10600] =	vst v63  }
0x40: {  	_ = 	snop  }
0x41: {  	[tilespmem:s31], [sflag:$0x2] =	stream.indirect.gather [hbm4b:s4+s17], $0x40, s22, s17, $0xb8;
	[tilespmem:$0x10600] =	vst v63  }
0x42: {  	_ =	swait.ge [sflag:s0], $0x2000  }
0x43: {  	[sflag:s0] =	ssyncset.done $0x0  }
0x44: {  	[sflag:s0] =	ssyncadd.s32 $0xFFFFE000  }
0x45: {  	_ =	swait.ge [sflag:s2], $0x2000  }
0x46: {  	[sflag:s2] =	ssyncset.done $0x0  }
0x47: {  	[sflag:s2] =	ssyncadd.s32 $0xFFFFE000  }
0x48: {  	_ =	swait.ge [sflag:s0], $0x2000  }
0x49: {  	[sflag:s0] =	ssyncset.done $0x0  }
0x4a: {  	[sflag:s0] =	ssyncadd.s32 $0xFFFFE000  }
0x4b: {  	_ =	swait.ge [sflag:s2], $0x2000  }
0x4c: {  	[sflag:s2] =	ssyncset.done $0x0  }
0x4d: {  	[sflag:s2] =	ssyncadd.s32 $0xFFFFE000  }
0x4e: {  	_ =	swait.ge [sflag:s0], $0x2000  }
0x4f: {  	[sflag:s0] =	ssyncset.done $0x0  }
0x50: {  	[sflag:s0] =	ssyncadd.s32 $0xFFFFE000  }
0x51: {  	_ =	swait.ge [sflag:s2], $0x2000  }
0x52: {  	[sflag:s2] =	ssyncset.done $0x0  }
0x53: {  	v1 =	vmov s1;
	[sflag:s2] =	ssyncadd.s32 $0xFFFFE000  }
0x54: {  	v1 =	vshll.u32 v1, $0x6;
	_ =	swait.ge [sflag:s0], $0x2000  }
0x55: {  	v1 =	vor.u32 v0, v1;
	[sflag:s0] =	ssyncset.done $0x0  }
0x56: {  	[sflag:s0] =	ssyncadd.s32 $0xFFFFE000  }
0x57: {  	v2 =	vor.u32 $0x1, v1;
	_ =	swait.ge [sflag:s2], $0x2000  }
0x58: {  	[sflag:s2] =	ssyncset.done $0x0  }
0x59: {  	v3 =	vor.u32 $0x2, v1;
	[sflag:s2] =	ssyncadd.s32 $0xFFFFE000  }
0x5a: {  	v4 =	vld.idx.msk [tilespmem:v1+s24+$0x0], $0xffff  }
0x5b: {  	v6 =	vor.u32 $0x3, v1;
	v5 =	vld.idx.msk [tilespmem:v1+s23+$0x0], $0xffff  }
0x5c: {  	v7 =	vld.idx.msk [tilespmem:v2+s23+$0x0], $0xffff  }
0x5d: {  	v8 =	vor.u32 $0x4, v1;
	v2 =	vld.idx.msk [tilespmem:v2+s24+$0x0], $0xffff  }
0x5e: {  	v9 =	vld.idx.msk [tilespmem:v3+s23+$0x0], $0xffff  }
0x5f: {  	v10 =	vor.u32 $0x5, v1;
	v3 =	vld.idx.msk [tilespmem:v3+s24+$0x0], $0xffff  }
0x60: {  	v11 =	vld.idx.msk [tilespmem:v6+s23+$0x0], $0xffff;
	v4 =	vmul.f32 v4, v5  }
0x61: {  	v5 =	vld.idx.msk [tilespmem:v6+s24+$0x0], $0xffff;
	v6 =	vor.u32 $0x6, v1  }
0x62: {  	v12 =	vld.idx.msk [tilespmem:v8+s23+$0x0], $0xffff;
	v2 =	vmul.f32 v2, v7;
	v4 =	vadd.f32 $0.0e+00, v4  }
0x63: {  	v61 =	vor.u32 $0x7, v1;
	v7 =	vld.idx.msk [tilespmem:v8+s24+$0x0], $0xffff  }
0x64: {  	v13 =	vld.idx.msk [tilespmem:v10+s23+$0x0], $0xffff;
	v3 =	vmul.f32 v3, v9;
	v2 =	vadd.f32 v2, v4  }
0x65: {  	v62 =	vor.u32 $0x8, v1;
	v4 =	vld.idx.msk [tilespmem:v10+s24+$0x0], $0xffff  }
0x66: {  	v63 =	vld.idx.msk [tilespmem:v6+s23+$0x0], $0xffff;
	v2 =	vadd.f32 v3, v2;
	v3 =	vmul.f32 v5, v11  }
0x67: {  	v5 =	vld.idx.msk [tilespmem:v6+s24+$0x0], $0xffff;
	v6 =	vor.u32 $0x9, v1  }
0x68: {  	v16 =	vld.idx.msk [tilespmem:v61+s23+$0x0], $0xffff;
	v2 =	vadd.f32 v3, v2;
	v3 =	vmul.f32 v7, v12  }
0x69: {  	v17 =	vor.u32 $0xA, v1;
	v7 =	vld.idx.msk [tilespmem:v61+s24+$0x0], $0xffff  }
0x6a: {  	v18 =	vld.idx.msk [tilespmem:v62+s23+$0x0], $0xffff;
	v2 =	vadd.f32 v3, v2;
	v3 =	vmul.f32 v4, v13  }
0x6b: {  	v19 =	vor.u32 $0xB, v1;
	v4 =	vld.idx.msk [tilespmem:v62+s24+$0x0], $0xffff  }
0x6c: {  	v20 =	vld.idx.msk [tilespmem:v6+s23+$0x0], $0xffff;
	v2 =	vadd.f32 v3, v2;
	v3 =	vmul.f32 v5, v63  }
0x6d: {  	v5 =	vld.idx.msk [tilespmem:v6+s24+$0x0], $0xffff;
	v6 =	vor.u32 $0xC, v1  }
0x6e: {  	v21 =	vld.idx.msk [tilespmem:v17+s23+$0x0], $0xffff;
	v2 =	vadd.f32 v3, v2;
	v3 =	vmul.f32 v7, v16  }
0x6f: {  	v22 =	vor.u32 $0xD, v1;
	v7 =	vld.idx.msk [tilespmem:v17+s24+$0x0], $0xffff  }
0x70: {  	v23 =	vld.idx.msk [tilespmem:v19+s23+$0x0], $0xffff;
	v2 =	vadd.f32 v3, v2;
	v3 =	vmul.f32 v4, v18  }
0x71: {  	v24 =	vor.u32 $0xE, v1;
	v4 =	vld.idx.msk [tilespmem:v19+s24+$0x0], $0xffff  }
0x72: {  	v25 =	vld.idx.msk [tilespmem:v6+s23+$0x0], $0xffff;
	v2 =	vadd.f32 v3, v2;
	v3 =	vmul.f32 v5, v20  }
0x73: {  	v5 =	vld.idx.msk [tilespmem:v6+s24+$0x0], $0xffff;
	v6 =	vor.u32 $0xF, v1  }
0x74: {  	v26 =	vld.idx.msk [tilespmem:v22+s23+$0x0], $0xffff;
	v2 =	vadd.f32 v3, v2;
	v3 =	vmul.f32 v7, v21  }
0x75: {  	v27 =	vor.u32 $0x10, v1;
	v7 =	vld.idx.msk [tilespmem:v22+s24+$0x0], $0xffff  }
0x76: {  	v28 =	vld.idx.msk [tilespmem:v24+s23+$0x0], $0xffff;
	v2 =	vadd.f32 v3, v2;
	v3 =	vmul.f32 v4, v23  }
0x77: {  	v29 =	vor.u32 $0x11, v1;
	v4 =	vld.idx.msk [tilespmem:v24+s24+$0x0], $0xffff  }
0x78: {  	v30 =	vld.idx.msk [tilespmem:v6+s23+$0x0], $0xffff;
	v2 =	vadd.f32 v3, v2;
	v3 =	vmul.f32 v5, v25  }
0x79: {  	v5 =	vld.idx.msk [tilespmem:v6+s24+$0x0], $0xffff;
	v6 =	vor.u32 $0x12, v1  }
0x7a: {  	v31 =	vld.idx.msk [tilespmem:v27+s23+$0x0], $0xffff;
	v2 =	vadd.f32 v3, v2;
	v3 =	vmul.f32 v7, v26  }
0x7b: {  	v32 =	vor.u32 $0x13, v1;
	v7 =	vld.idx.msk [tilespmem:v27+s24+$0x0], $0xffff  }
0x7c: {  	v33 =	vld.idx.msk [tilespmem:v29+s23+$0x0], $0xffff;
	v2 =	vadd.f32 v3, v2;
	v3 =	vmul.f32 v4, v28  }
0x7d: {  	v34 =	vor.u32 $0x14, v1;
	v4 =	vld.idx.msk [tilespmem:v29+s24+$0x0], $0xffff  }
0x7e: {  	v35 =	vld.idx.msk [tilespmem:v6+s23+$0x0], $0xffff;
	v2 =	vadd.f32 v3, v2;
	v3 =	vmul.f32 v5, v30  }
0x7f: {  	v5 =	vld.idx.msk [tilespmem:v6+s24+$0x0], $0xffff;
	v6 =	vor.u32 $0x15, v1  }
0x80: {  	v36 =	vld.idx.msk [tilespmem:v32+s23+$0x0], $0xffff;
	v2 =	vadd.f32 v3, v2;
	v3 =	vmul.f32 v7, v31  }
0x81: {  	v37 =	vor.u32 $0x16, v1;
	v7 =	vld.idx.msk [tilespmem:v32+s24+$0x0], $0xffff  }
0x82: {  	v38 =	vld.idx.msk [tilespmem:v34+s23+$0x0], $0xffff;
	v2 =	vadd.f32 v3, v2;
	v3 =	vmul.f32 v4, v33  }
0x83: {  	v39 =	vor.u32 $0x17, v1;
	v4 =	vld.idx.msk [tilespmem:v34+s24+$0x0], $0xffff  }
0x84: {  	v40 =	vld.idx.msk [tilespmem:v6+s23+$0x0], $0xffff;
	v2 =	vadd.f32 v3, v2;
	v3 =	vmul.f32 v5, v35  }
0x85: {  	v5 =	vld.idx.msk [tilespmem:v6+s24+$0x0], $0xffff;
	v6 =	vor.u32 $0x18, v1  }
0x86: {  	v41 =	vld.idx.msk [tilespmem:v37+s23+$0x0], $0xffff;
	v2 =	vadd.f32 v3, v2;
	v3 =	vmul.f32 v7, v36  }
0x87: {  	v42 =	vor.u32 $0x19, v1;
	v7 =	vld.idx.msk [tilespmem:v37+s24+$0x0], $0xffff  }
0x88: {  	v43 =	vld.idx.msk [tilespmem:v39+s23+$0x0], $0xffff;
	v2 =	vadd.f32 v3, v2;
	v3 =	vmul.f32 v4, v38  }
0x89: {  	v44 =	vor.u32 $0x1A, v1;
	v4 =	vld.idx.msk [tilespmem:v39+s24+$0x0], $0xffff  }
0x8a: {  	v45 =	vld.idx.msk [tilespmem:v6+s23+$0x0], $0xffff;
	v2 =	vadd.f32 v3, v2;
	v3 =	vmul.f32 v5, v40  }
0x8b: {  	v5 =	vld.idx.msk [tilespmem:v6+s24+$0x0], $0xffff;
	v6 =	vor.u32 $0x1B, v1  }
0x8c: {  	v46 =	vld.idx.msk [tilespmem:v42+s23+$0x0], $0xffff;
	v2 =	vadd.f32 v3, v2;
	v3 =	vmul.f32 v7, v41  }
0x8d: {  	v47 =	vor.u32 $0x1C, v1;
	v7 =	vld.idx.msk [tilespmem:v42+s24+$0x0], $0xffff  }
0x8e: {  	v48 =	vld.idx.msk [tilespmem:v44+s23+$0x0], $0xffff;
	v2 =	vadd.f32 v3, v2;
	v3 =	vmul.f32 v4, v43  }
0x8f: {  	v49 =	vor.u32 $0x1D, v1;
	v4 =	vld.idx.msk [tilespmem:v44+s24+$0x0], $0xffff  }
0x90: {  	v50 =	vld.idx.msk [tilespmem:v6+s23+$0x0], $0xffff;
	v2 =	vadd.f32 v3, v2;
	v3 =	vmul.f32 v5, v45  }
0x91: {  	v5 =	vld.idx.msk [tilespmem:v6+s24+$0x0], $0xffff;
	v6 =	vor.u32 $0x1E, v1  }
0x92: {  	v51 =	vld.idx.msk [tilespmem:v47+s23+$0x0], $0xffff;
	v2 =	vadd.f32 v3, v2;
	v3 =	vmul.f32 v7, v46  }
0x93: {  	v52 =	vor.u32 $0x1F, v1;
	v7 =	vld.idx.msk [tilespmem:v47+s24+$0x0], $0xffff  }
0x94: {  	v53 =	vld.idx.msk [tilespmem:v49+s23+$0x0], $0xffff;
	v2 =	vadd.f32 v3, v2;
	v3 =	vmul.f32 v4, v48  }
0x95: {  	v54 =	vor.u32 $0x20, v1;
	v4 =	vld.idx.msk [tilespmem:v49+s24+$0x0], $0xffff  }
0x96: {  	v55 =	vld.idx.msk [tilespmem:v6+s23+$0x0], $0xffff;
	v2 =	vadd.f32 v3, v2;
	v3 =	vmul.f32 v5, v50  }
0x97: {  	v5 =	vld.idx.msk [tilespmem:v6+s24+$0x0], $0xffff;
	v6 =	vor.u32 $0x21, v1  }
0x98: {  	v56 =	vld.idx.msk [tilespmem:v52+s23+$0x0], $0xffff;
	v2 =	vadd.f32 v3, v2;
	v3 =	vmul.f32 v7, v51  }
0x99: {  	v57 =	vor.u32 $0x22, v1;
	v7 =	vld.idx.msk [tilespmem:v52+s24+$0x0], $0xffff  }
0x9a: {  	v58 =	vld.idx.msk [tilespmem:v54+s23+$0x0], $0xffff;
	v2 =	vadd.f32 v3, v2;
	v3 =	vmul.f32 v4, v53  }
0x9b: {  	v59 =	vor.u32 $0x23, v1;
	v4 =	vld.idx.msk [tilespmem:v54+s24+$0x0], $0xffff  }
0x9c: {  	v60 =	vld.idx.msk [tilespmem:v6+s23+$0x0], $0xffff;
	v2 =	vadd.f32 v3, v2;
	v3 =	vmul.f32 v5, v55  }
0x9d: {  	v5 =	vld.idx.msk [tilespmem:v6+s24+$0x0], $0xffff;
	v6 =	vor.u32 $0x24, v1  }
0x9e: {  	v61 =	vld.idx.msk [tilespmem:v57+s23+$0x0], $0xffff;
	v2 =	vadd.f32 v3, v2;
	v3 =	vmul.f32 v7, v56  }
0x9f: {  	v62 =	vor.u32 $0x25, v1;
	v7 =	vld.idx.msk [tilespmem:v57+s24+$0x0], $0xffff  }
0xa0: {  	v63 =	vld.idx.msk [tilespmem:v59+s23+$0x0], $0xffff;
	v2 =	vadd.f32 v3, v2;
	v3 =	vmul.f32 v4, v58  }
0xa1: {  	v16 =	vor.u32 $0x26, v1;
	v4 =	vld.idx.msk [tilespmem:v59+s24+$0x0], $0xffff  }
0xa2: {  	v17 =	vld.idx.msk [tilespmem:v6+s23+$0x0], $0xffff;
	v2 =	vadd.f32 v3, v2;
	v3 =	vmul.f32 v5, v60  }
0xa3: {  	v5 =	vld.idx.msk [tilespmem:v6+s24+$0x0], $0xffff;
	v6 =	vor.u32 $0x27, v1  }
0xa4: {  	v18 =	vld.idx.msk [tilespmem:v62+s23+$0x0], $0xffff;
	v2 =	vadd.f32 v3, v2;
	v3 =	vmul.f32 v7, v61  }
0xa5: {  	v19 =	vor.u32 $0x28, v1;
	v7 =	vld.idx.msk [tilespmem:v62+s24+$0x0], $0xffff  }
0xa6: {  	v20 =	vld.idx.msk [tilespmem:v16+s23+$0x0], $0xffff;
	v2 =	vadd.f32 v3, v2;
	v3 =	vmul.f32 v4, v63  }
0xa7: {  	v21 =	vor.u32 $0x29, v1;
	v4 =	vld.idx.msk [tilespmem:v16+s24+$0x0], $0xffff  }
0xa8: {  	v22 =	vld.idx.msk [tilespmem:v6+s23+$0x0], $0xffff;
	v2 =	vadd.f32 v3, v2;
	v3 =	vmul.f32 v5, v17  }
0xa9: {  	v5 =	vld.idx.msk [tilespmem:v6+s24+$0x0], $0xffff;
	v6 =	vor.u32 $0x2A, v1  }
0xaa: {  	v23 =	vld.idx.msk [tilespmem:v19+s23+$0x0], $0xffff;
	v2 =	vadd.f32 v3, v2;
	v3 =	vmul.f32 v7, v18  }
0xab: {  	v24 =	vor.u32 $0x2B, v1;
	v7 =	vld.idx.msk [tilespmem:v19+s24+$0x0], $0xffff  }
0xac: {  	v25 =	vld.idx.msk [tilespmem:v21+s23+$0x0], $0xffff;
	v2 =	vadd.f32 v3, v2;
	v3 =	vmul.f32 v4, v20  }
0xad: {  	v26 =	vor.u32 $0x2C, v1;
	v4 =	vld.idx.msk [tilespmem:v21+s24+$0x0], $0xffff  }
0xae: {  	v27 =	vld.idx.msk [tilespmem:v6+s23+$0x0], $0xffff;
	v2 =	vadd.f32 v3, v2;
	v3 =	vmul.f32 v5, v22  }
0xaf: {  	v5 =	vld.idx.msk [tilespmem:v6+s24+$0x0], $0xffff;
	v6 =	vor.u32 $0x2D, v1  }
0xb0: {  	v28 =	vld.idx.msk [tilespmem:v24+s23+$0x0], $0xffff;
	v2 =	vadd.f32 v3, v2;
	v3 =	vmul.f32 v7, v23  }
0xb1: {  	v29 =	vor.u32 $0x2E, v1;
	v7 =	vld.idx.msk [tilespmem:v24+s24+$0x0], $0xffff  }
0xb2: {  	v30 =	vld.idx.msk [tilespmem:v26+s23+$0x0], $0xffff;
	v2 =	vadd.f32 v3, v2;
	v3 =	vmul.f32 v4, v25  }
0xb3: {  	v31 =	vor.u32 $0x2F, v1;
	v4 =	vld.idx.msk [tilespmem:v26+s24+$0x0], $0xffff  }
0xb4: {  	v32 =	vld.idx.msk [tilespmem:v6+s23+$0x0], $0xffff;
	v2 =	vadd.f32 v3, v2;
	v3 =	vmul.f32 v5, v27  }
0xb5: {  	v5 =	vld.idx.msk [tilespmem:v6+s24+$0x0], $0xffff;
	v6 =	vor.u32 $0x30, v1  }
0xb6: {  	v33 =	vld.idx.msk [tilespmem:v29+s23+$0x0], $0xffff;
	v2 =	vadd.f32 v3, v2;
	v3 =	vmul.f32 v7, v28  }
0xb7: {  	v34 =	vor.u32 $0x31, v1;
	v7 =	vld.idx.msk [tilespmem:v29+s24+$0x0], $0xffff  }
0xb8: {  	v35 =	vld.idx.msk [tilespmem:v31+s23+$0x0], $0xffff;
	v2 =	vadd.f32 v3, v2;
	v3 =	vmul.f32 v4, v30  }
0xb9: {  	v36 =	vor.u32 $0x32, v1;
	v4 =	vld.idx.msk [tilespmem:v31+s24+$0x0], $0xffff  }
0xba: {  	v37 =	vld.idx.msk [tilespmem:v6+s23+$0x0], $0xffff;
	v2 =	vadd.f32 v3, v2;
	v3 =	vmul.f32 v5, v32  }
0xbb: {  	v5 =	vld.idx.msk [tilespmem:v6+s24+$0x0], $0xffff;
	v6 =	vor.u32 $0x33, v1  }
0xbc: {  	v38 =	vld.idx.msk [tilespmem:v34+s23+$0x0], $0xffff;
	v2 =	vadd.f32 v3, v2;
	v3 =	vmul.f32 v7, v33  }
0xbd: {  	v39 =	vor.u32 $0x34, v1;
	v7 =	vld.idx.msk [tilespmem:v34+s24+$0x0], $0xffff  }
0xbe: {  	v40 =	vld.idx.msk [tilespmem:v36+s23+$0x0], $0xffff;
	v2 =	vadd.f32 v3, v2;
	v3 =	vmul.f32 v4, v35  }
0xbf: {  	v41 =	vor.u32 $0x35, v1;
	v4 =	vld.idx.msk [tilespmem:v36+s24+$0x0], $0xffff  }
0xc0: {  	v42 =	vld.idx.msk [tilespmem:v6+s23+$0x0], $0xffff;
	v2 =	vadd.f32 v3, v2;
	v3 =	vmul.f32 v5, v37  }
0xc1: {  	v5 =	vld.idx.msk [tilespmem:v6+s24+$0x0], $0xffff;
	v6 =	vor.u32 $0x36, v1  }
0xc2: {  	v43 =	vld.idx.msk [tilespmem:v39+s23+$0x0], $0xffff;
	v2 =	vadd.f32 v3, v2;
	v3 =	vmul.f32 v7, v38  }
0xc3: {  	v44 =	vor.u32 $0x37, v1;
	v7 =	vld.idx.msk [tilespmem:v39+s24+$0x0], $0xffff  }
0xc4: {  	v45 =	vld.idx.msk [tilespmem:v41+s23+$0x0], $0xffff;
	v2 =	vadd.f32 v3, v2;
	v3 =	vmul.f32 v4, v40  }
0xc5: {  	v46 =	vor.u32 $0x38, v1;
	v4 =	vld.idx.msk [tilespmem:v41+s24+$0x0], $0xffff  }
0xc6: {  	v47 =	vld.idx.msk [tilespmem:v6+s23+$0x0], $0xffff;
	v2 =	vadd.f32 v3, v2;
	v3 =	vmul.f32 v5, v42  }
0xc7: {  	v5 =	vld.idx.msk [tilespmem:v6+s24+$0x0], $0xffff;
	v6 =	vor.u32 $0x39, v1  }
0xc8: {  	v48 =	vld.idx.msk [tilespmem:v44+s23+$0x0], $0xffff;
	v2 =	vadd.f32 v3, v2;
	v3 =	vmul.f32 v7, v43  }
0xc9: {  	v49 =	vor.u32 $0x3A, v1;
	v7 =	vld.idx.msk [tilespmem:v44+s24+$0x0], $0xffff  }
0xca: {  	v50 =	vld.idx.msk [tilespmem:v46+s23+$0x0], $0xffff;
	v2 =	vadd.f32 v3, v2;
	v3 =	vmul.f32 v4, v45  }
0xcb: {  	v51 =	vor.u32 $0x3B, v1;
	v4 =	vld.idx.msk [tilespmem:v46+s24+$0x0], $0xffff  }
0xcc: {  	v52 =	vld.idx.msk [tilespmem:v6+s23+$0x0], $0xffff;
	v2 =	vadd.f32 v3, v2;
	v3 =	vmul.f32 v5, v47  }
0xcd: {  	v5 =	vld.idx.msk [tilespmem:v6+s24+$0x0], $0xffff;
	v6 =	vor.u32 $0x3C, v1  }
0xce: {  	v53 =	vld.idx.msk [tilespmem:v49+s23+$0x0], $0xffff;
	v2 =	vadd.f32 v3, v2;
	v3 =	vmul.f32 v7, v48  }
0xcf: {  	v54 =	vor.u32 $0x3D, v1;
	v7 =	vld.idx.msk [tilespmem:v49+s24+$0x0], $0xffff  }
0xd0: {  	v55 =	vld.idx.msk [tilespmem:v51+s23+$0x0], $0xffff;
	v2 =	vadd.f32 v3, v2;
	v3 =	vmul.f32 v4, v50  }
0xd1: {  	v56 =	vor.u32 $0x3E, v1;
	v4 =	vld.idx.msk [tilespmem:v51+s24+$0x0], $0xffff  }
0xd2: {  	v57 =	vld.idx.msk [tilespmem:v6+s23+$0x0], $0xffff;
	v2 =	vadd.f32 v3, v2;
	v3 =	vmul.f32 v5, v52  }
0xd3: {  	v1 =	vor.u32 $0x3F, v1;
	v5 =	vld.idx.msk [tilespmem:v6+s24+$0x0], $0xffff  }
0xd4: {  	v6 =	vld.idx.msk [tilespmem:v54+s23+$0x0], $0xffff;
	v2 =	vadd.f32 v3, v2;
	v3 =	vmul.f32 v7, v53  }
0xd5: {  	v7 =	vld.idx.msk [tilespmem:v54+s24+$0x0], $0xffff  }
0xd6: {  	v58 =	vld.idx.msk [tilespmem:v56+s23+$0x0], $0xffff;
	v2 =	vadd.f32 v3, v2;
	v3 =	vmul.f32 v4, v55  }
0xd7: {  	v4 =	vld.idx.msk [tilespmem:v56+s24+$0x0], $0xffff  }
0xd8: {  	v59 =	vld.idx.msk [tilespmem:v1+s23+$0x0], $0xffff;
	v2 =	vadd.f32 v3, v2;
	v3 =	vmul.f32 v5, v57  }
0xd9: {  	v5 =	vld.idx.msk [tilespmem:v1+s24+$0x0], $0xffff  }
0xda: {  	v1 =	vadd.f32 v3, v2;
	v2 =	vmul.f32 v7, v6  }
0xdb: {  	s28 =	simm.s32 $0x10  }
0xdc: {  	v3 =	vmov s28;
	v4 =	vmul.f32 v4, v58;
	v2 =	vadd.f32 v2, v1  }
0xdd: {  	v1 =	vshll.u32 v3, $0x6  }
0xde: {  	v1 =	vor.u32 v0, v1;
	v3 =	vmul.f32 v5, v59;
	v2 =	vadd.f32 v4, v2;
	_ =	sdelay $0x1  }
0xdf: {  	v4 =	vor.u32 $0x1, v1;
	v2 =	vadd.f32 v3, v2;
	_ =	sdelay $0x1  }
0xe0: {  	v3 =	vor.u32 $0x2, v1;
	[tilespmem:s25+$0x0] =	vst v2  }
0xe1: {  	v2 =	vld.idx.msk [tilespmem:v1+s24+$0x0], $0xffff  }
0xe2: {  	v6 =	vor.u32 $0x3, v1;
	v5 =	vld.idx.msk [tilespmem:v1+s23+$0x0], $0xffff  }
0xe3: {  	v7 =	vld.idx.msk [tilespmem:v4+s23+$0x0], $0xffff  }
0xe4: {  	v60 =	vor.u32 $0x4, v1;
	v4 =	vld.idx.msk [tilespmem:v4+s24+$0x0], $0xffff  }
0xe5: {  	v61 =	vld.idx.msk [tilespmem:v3+s23+$0x0], $0xffff  }
0xe6: {  	v62 =	vor.u32 $0x5, v1;
	v3 =	vld.idx.msk [tilespmem:v3+s24+$0x0], $0xffff  }
0xe7: {  	v63 =	vld.idx.msk [tilespmem:v6+s23+$0x0], $0xffff;
	v2 =	vmul.f32 v2, v5  }
0xe8: {  	v5 =	vld.idx.msk [tilespmem:v6+s24+$0x0], $0xffff;
	v6 =	vor.u32 $0x6, v1  }
0xe9: {  	v16 =	vld.idx.msk [tilespmem:v60+s23+$0x0], $0xffff;
	v4 =	vmul.f32 v4, v7;
	v2 =	vadd.f32 $0.0e+00, v2  }
0xea: {  	v17 =	vor.u32 $0x7, v1;
	v7 =	vld.idx.msk [tilespmem:v60+s24+$0x0], $0xffff  }
0xeb: {  	v18 =	vld.idx.msk [tilespmem:v62+s23+$0x0], $0xffff;
	v3 =	vmul.f32 v3, v61;
	v2 =	vadd.f32 v4, v2  }
0xec: {  	v19 =	vor.u32 $0x8, v1;
	v4 =	vld.idx.msk [tilespmem:v62+s24+$0x0], $0xffff  }
0xed: {  	v20 =	vld.idx.msk [tilespmem:v6+s23+$0x0], $0xffff;
	v2 =	vadd.f32 v3, v2;
	v3 =	vmul.f32 v5, v63  }
0xee: {  	v5 =	vld.idx.msk [tilespmem:v6+s24+$0x0], $0xffff;
	v6 =	vor.u32 $0x9, v1  }
0xef: {  	v21 =	vld.idx.msk [tilespmem:v17+s23+$0x0], $0xffff;
	v2 =	vadd.f32 v3, v2;
	v3 =	vmul.f32 v7, v16  }
0xf0: {  	v22 =	vor.u32 $0xA, v1;
	v7 =	vld.idx.msk [tilespmem:v17+s24+$0x0], $0xffff  }
0xf1: {  	v23 =	vld.idx.msk [tilespmem:v19+s23+$0x0], $0xffff;
	v2 =	vadd.f32 v3, v2;
	v3 =	vmul.f32 v4, v18  }
0xf2: {  	v24 =	vor.u32 $0xB, v1;
	v4 =	vld.idx.msk [tilespmem:v19+s24+$0x0], $0xffff  }
0xf3: {  	v25 =	vld.idx.msk [tilespmem:v6+s23+$0x0], $0xffff;
	v2 =	vadd.f32 v3, v2;
	v3 =	vmul.f32 v5, v20  }
0xf4: {  	v5 =	vld.idx.msk [tilespmem:v6+s24+$0x0], $0xffff;
	v6 =	vor.u32 $0xC, v1  }
0xf5: {  	v26 =	vld.idx.msk [tilespmem:v22+s23+$0x0], $0xffff;
	v2 =	vadd.f32 v3, v2;
	v3 =	vmul.f32 v7, v21  }
0xf6: {  	v27 =	vor.u32 $0xD, v1;
	v7 =	vld.idx.msk [tilespmem:v22+s24+$0x0], $0xffff  }
0xf7: {  	v28 =	vld.idx.msk [tilespmem:v24+s23+$0x0], $0xffff;
	v2 =	vadd.f32 v3, v2;
	v3 =	vmul.f32 v4, v23  }
0xf8: {  	v29 =	vor.u32 $0xE, v1;
	v4 =	vld.idx.msk [tilespmem:v24+s24+$0x0], $0xffff  }
0xf9: {  	v30 =	vld.idx.msk [tilespmem:v6+s23+$0x0], $0xffff;
	v2 =	vadd.f32 v3, v2;
	v3 =	vmul.f32 v5, v25  }
0xfa: {  	v5 =	vld.idx.msk [tilespmem:v6+s24+$0x0], $0xffff;
	v6 =	vor.u32 $0xF, v1  }
0xfb: {  	v31 =	vld.idx.msk [tilespmem:v27+s23+$0x0], $0xffff;
	v2 =	vadd.f32 v3, v2;
	v3 =	vmul.f32 v7, v26  }
0xfc: {  	v32 =	vor.u32 $0x10, v1;
	v7 =	vld.idx.msk [tilespmem:v27+s24+$0x0], $0xffff  }
0xfd: {  	v33 =	vld.idx.msk [tilespmem:v29+s23+$0x0], $0xffff;
	v2 =	vadd.f32 v3, v2;
	v3 =	vmul.f32 v4, v28  }
0xfe: {  	v34 =	vor.u32 $0x11, v1;
	v4 =	vld.idx.msk [tilespmem:v29+s24+$0x0], $0xffff  }
0xff: {  	v35 =	vld.idx.msk [tilespmem:v6+s23+$0x0], $0xffff;
	v2 =	vadd.f32 v3, v2;
	v3 =	vmul.f32 v5, v30  }
0x100: {  	v5 =	vld.idx.msk [tilespmem:v6+s24+$0x0], $0xffff;
	v6 =	vor.u32 $0x12, v1  }
0x101: {  	v36 =	vld.idx.msk [tilespmem:v32+s23+$0x0], $0xffff;
	v2 =	vadd.f32 v3, v2;
	v3 =	vmul.f32 v7, v31  }
0x102: {  	v37 =	vor.u32 $0x13, v1;
	v7 =	vld.idx.msk [tilespmem:v32+s24+$0x0], $0xffff  }
0x103: {  	v38 =	vld.idx.msk [tilespmem:v34+s23+$0x0], $0xffff;
	v2 =	vadd.f32 v3, v2;
	v3 =	vmul.f32 v4, v33  }
0x104: {  	v39 =	vor.u32 $0x14, v1;
	v4 =	vld.idx.msk [tilespmem:v34+s24+$0x0], $0xffff  }
0x105: {  	v40 =	vld.idx.msk [tilespmem:v6+s23+$0x0], $0xffff;
	v2 =	vadd.f32 v3, v2;
	v3 =	vmul.f32 v5, v35  }
0x106: {  	v5 =	vld.idx.msk [tilespmem:v6+s24+$0x0], $0xffff;
	v6 =	vor.u32 $0x15, v1  }
0x107: {  	v41 =	vld.idx.msk [tilespmem:v37+s23+$0x0], $0xffff;
	v2 =	vadd.f32 v3, v2;
	v3 =	vmul.f32 v7, v36  }
0x108: {  	v42 =	vor.u32 $0x16, v1;
	v7 =	vld.idx.msk [tilespmem:v37+s24+$0x0], $0xffff  }
0x109: {  	v43 =	vld.idx.msk [tilespmem:v39+s23+$0x0], $0xffff;
	v2 =	vadd.f32 v3, v2;
	v3 =	vmul.f32 v4, v38  }
0x10a: {  	v44 =	vor.u32 $0x17, v1;
	v4 =	vld.idx.msk [tilespmem:v39+s24+$0x0], $0xffff  }
0x10b: {  	v45 =	vld.idx.msk [tilespmem:v6+s23+$0x0], $0xffff;
	v2 =	vadd.f32 v3, v2;
	v3 =	vmul.f32 v5, v40  }
0x10c: {  	v5 =	vld.idx.msk [tilespmem:v6+s24+$0x0], $0xffff;
	v6 =	vor.u32 $0x18, v1  }
0x10d: {  	v46 =	vld.idx.msk [tilespmem:v42+s23+$0x0], $0xffff;
	v2 =	vadd.f32 v3, v2;
	v3 =	vmul.f32 v7, v41  }
0x10e: {  	v47 =	vor.u32 $0x19, v1;
	v7 =	vld.idx.msk [tilespmem:v42+s24+$0x0], $0xffff  }
0x10f: {  	v48 =	vld.idx.msk [tilespmem:v44+s23+$0x0], $0xffff;
	v2 =	vadd.f32 v3, v2;
	v3 =	vmul.f32 v4, v43  }
0x110: {  	v49 =	vor.u32 $0x1A, v1;
	v4 =	vld.idx.msk [tilespmem:v44+s24+$0x0], $0xffff  }
0x111: {  	v50 =	vld.idx.msk [tilespmem:v6+s23+$0x0], $0xffff;
	v2 =	vadd.f32 v3, v2;
	v3 =	vmul.f32 v5, v45  }
0x112: {  	v5 =	vld.idx.msk [tilespmem:v6+s24+$0x0], $0xffff;
	v6 =	vor.u32 $0x1B, v1  }
0x113: {  	v51 =	vld.idx.msk [tilespmem:v47+s23+$0x0], $0xffff;
	v2 =	vadd.f32 v3, v2;
	v3 =	vmul.f32 v7, v46  }
0x114: {  	v52 =	vor.u32 $0x1C, v1;
	v7 =	vld.idx.msk [tilespmem:v47+s24+$0x0], $0xffff  }
0x115: {  	v53 =	vld.idx.msk [tilespmem:v49+s23+$0x0], $0xffff;
	v2 =	vadd.f32 v3, v2;
	v3 =	vmul.f32 v4, v48  }
0x116: {  	v54 =	vor.u32 $0x1D, v1;
	v4 =	vld.idx.msk [tilespmem:v49+s24+$0x0], $0xffff  }
0x117: {  	v55 =	vld.idx.msk [tilespmem:v6+s23+$0x0], $0xffff;
	v2 =	vadd.f32 v3, v2;
	v3 =	vmul.f32 v5, v50  }
0x118: {  	v5 =	vld.idx.msk [tilespmem:v6+s24+$0x0], $0xffff;
	v6 =	vor.u32 $0x1E, v1  }
0x119: {  	v56 =	vld.idx.msk [tilespmem:v52+s23+$0x0], $0xffff;
	v2 =	vadd.f32 v3, v2;
	v3 =	vmul.f32 v7, v51  }
0x11a: {  	v57 =	vor.u32 $0x1F, v1;
	v7 =	vld.idx.msk [tilespmem:v52+s24+$0x0], $0xffff  }
0x11b: {  	v58 =	vld.idx.msk [tilespmem:v54+s23+$0x0], $0xffff;
	v2 =	vadd.f32 v3, v2;
	v3 =	vmul.f32 v4, v53  }
0x11c: {  	v59 =	vor.u32 $0x20, v1;
	v4 =	vld.idx.msk [tilespmem:v54+s24+$0x0], $0xffff  }
0x11d: {  	v60 =	vld.idx.msk [tilespmem:v6+s23+$0x0], $0xffff;
	v2 =	vadd.f32 v3, v2;
	v3 =	vmul.f32 v5, v55  }
0x11e: {  	v5 =	vld.idx.msk [tilespmem:v6+s24+$0x0], $0xffff;
	v6 =	vor.u32 $0x21, v1  }
0x11f: {  	v61 =	vld.idx.msk [tilespmem:v57+s23+$0x0], $0xffff;
	v2 =	vadd.f32 v3, v2;
	v3 =	vmul.f32 v7, v56  }
0x120: {  	v62 =	vor.u32 $0x22, v1;
	v7 =	vld.idx.msk [tilespmem:v57+s24+$0x0], $0xffff  }
0x121: {  	v63 =	vld.idx.msk [tilespmem:v59+s23+$0x0], $0xffff;
	v2 =	vadd.f32 v3, v2;
	v3 =	vmul.f32 v4, v58  }
0x122: {  	v16 =	vor.u32 $0x23, v1;
	v4 =	vld.idx.msk [tilespmem:v59+s24+$0x0], $0xffff  }
0x123: {  	v17 =	vld.idx.msk [tilespmem:v6+s23+$0x0], $0xffff;
	v2 =	vadd.f32 v3, v2;
	v3 =	vmul.f32 v5, v60  }
0x124: {  	v5 =	vld.idx.msk [tilespmem:v6+s24+$0x0], $0xffff;
	v6 =	vor.u32 $0x24, v1  }
0x125: {  	v18 =	vld.idx.msk [tilespmem:v62+s23+$0x0], $0xffff;
	v2 =	vadd.f32 v3, v2;
	v3 =	vmul.f32 v7, v61  }
0x126: {  	v19 =	vor.u32 $0x25, v1;
	v7 =	vld.idx.msk [tilespmem:v62+s24+$0x0], $0xffff  }
0x127: {  	v20 =	vld.idx.msk [tilespmem:v16+s23+$0x0], $0xffff;
	v2 =	vadd.f32 v3, v2;
	v3 =	vmul.f32 v4, v63  }
0x128: {  	v21 =	vor.u32 $0x26, v1;
	v4 =	vld.idx.msk [tilespmem:v16+s24+$0x0], $0xffff  }
0x129: {  	v22 =	vld.idx.msk [tilespmem:v6+s23+$0x0], $0xffff;
	v2 =	vadd.f32 v3, v2;
	v3 =	vmul.f32 v5, v17  }
0x12a: {  	v5 =	vld.idx.msk [tilespmem:v6+s24+$0x0], $0xffff;
	v6 =	vor.u32 $0x27, v1  }
0x12b: {  	v23 =	vld.idx.msk [tilespmem:v19+s23+$0x0], $0xffff;
	v2 =	vadd.f32 v3, v2;
	v3 =	vmul.f32 v7, v18  }
0x12c: {  	v24 =	vor.u32 $0x28, v1;
	v7 =	vld.idx.msk [tilespmem:v19+s24+$0x0], $0xffff  }
0x12d: {  	v25 =	vld.idx.msk [tilespmem:v21+s23+$0x0], $0xffff;
	v2 =	vadd.f32 v3, v2;
	v3 =	vmul.f32 v4, v20  }
0x12e: {  	v26 =	vor.u32 $0x29, v1;
	v4 =	vld.idx.msk [tilespmem:v21+s24+$0x0], $0xffff  }
0x12f: {  	v27 =	vld.idx.msk [tilespmem:v6+s23+$0x0], $0xffff;
	v2 =	vadd.f32 v3, v2;
	v3 =	vmul.f32 v5, v22  }
0x130: {  	v5 =	vld.idx.msk [tilespmem:v6+s24+$0x0], $0xffff;
	v6 =	vor.u32 $0x2A, v1  }
0x131: {  	v28 =	vld.idx.msk [tilespmem:v24+s23+$0x0], $0xffff;
	v2 =	vadd.f32 v3, v2;
	v3 =	vmul.f32 v7, v23  }
0x132: {  	v29 =	vor.u32 $0x2B, v1;
	v7 =	vld.idx.msk [tilespmem:v24+s24+$0x0], $0xffff  }
0x133: {  	v30 =	vld.idx.msk [tilespmem:v26+s23+$0x0], $0xffff;
	v2 =	vadd.f32 v3, v2;
	v3 =	vmul.f32 v4, v25  }
0x134: {  	v31 =	vor.u32 $0x2C, v1;
	v4 =	vld.idx.msk [tilespmem:v26+s24+$0x0], $0xffff  }
0x135: {  	v32 =	vld.idx.msk [tilespmem:v6+s23+$0x0], $0xffff;
	v2 =	vadd.f32 v3, v2;
	v3 =	vmul.f32 v5, v27  }
0x136: {  	v5 =	vld.idx.msk [tilespmem:v6+s24+$0x0], $0xffff;
	v6 =	vor.u32 $0x2D, v1  }
0x137: {  	v33 =	vld.idx.msk [tilespmem:v29+s23+$0x0], $0xffff;
	v2 =	vadd.f32 v3, v2;
	v3 =	vmul.f32 v7, v28  }
0x138: {  	v34 =	vor.u32 $0x2E, v1;
	v7 =	vld.idx.msk [tilespmem:v29+s24+$0x0], $0xffff  }
0x139: {  	v35 =	vld.idx.msk [tilespmem:v31+s23+$0x0], $0xffff;
	v2 =	vadd.f32 v3, v2;
	v3 =	vmul.f32 v4, v30  }
0x13a: {  	v36 =	vor.u32 $0x2F, v1;
	v4 =	vld.idx.msk [tilespmem:v31+s24+$0x0], $0xffff  }
0x13b: {  	v37 =	vld.idx.msk [tilespmem:v6+s23+$0x0], $0xffff;
	v2 =	vadd.f32 v3, v2;
	v3 =	vmul.f32 v5, v32  }
0x13c: {  	v5 =	vld.idx.msk [tilespmem:v6+s24+$0x0], $0xffff;
	v6 =	vor.u32 $0x30, v1  }
0x13d: {  	v38 =	vld.idx.msk [tilespmem:v34+s23+$0x0], $0xffff;
	v2 =	vadd.f32 v3, v2;
	v3 =	vmul.f32 v7, v33  }
0x13e: {  	v39 =	vor.u32 $0x31, v1;
	v7 =	vld.idx.msk [tilespmem:v34+s24+$0x0], $0xffff  }
0x13f: {  	v40 =	vld.idx.msk [tilespmem:v36+s23+$0x0], $0xffff;
	v2 =	vadd.f32 v3, v2;
	v3 =	vmul.f32 v4, v35  }
0x140: {  	v41 =	vor.u32 $0x32, v1;
	v4 =	vld.idx.msk [tilespmem:v36+s24+$0x0], $0xffff  }
0x141: {  	v42 =	vld.idx.msk [tilespmem:v6+s23+$0x0], $0xffff;
	v2 =	vadd.f32 v3, v2;
	v3 =	vmul.f32 v5, v37  }
0x142: {  	v5 =	vld.idx.msk [tilespmem:v6+s24+$0x0], $0xffff;
	v6 =	vor.u32 $0x33, v1  }
0x143: {  	v43 =	vld.idx.msk [tilespmem:v39+s23+$0x0], $0xffff;
	v2 =	vadd.f32 v3, v2;
	v3 =	vmul.f32 v7, v38  }
0x144: {  	v44 =	vor.u32 $0x34, v1;
	v7 =	vld.idx.msk [tilespmem:v39+s24+$0x0], $0xffff  }
0x145: {  	v45 =	vld.idx.msk [tilespmem:v41+s23+$0x0], $0xffff;
	v2 =	vadd.f32 v3, v2;
	v3 =	vmul.f32 v4, v40  }
0x146: {  	v46 =	vor.u32 $0x35, v1;
	v4 =	vld.idx.msk [tilespmem:v41+s24+$0x0], $0xffff  }
0x147: {  	v47 =	vld.idx.msk [tilespmem:v6+s23+$0x0], $0xffff;
	v2 =	vadd.f32 v3, v2;
	v3 =	vmul.f32 v5, v42  }
0x148: {  	v5 =	vld.idx.msk [tilespmem:v6+s24+$0x0], $0xffff;
	v6 =	vor.u32 $0x36, v1  }
0x149: {  	v48 =	vld.idx.msk [tilespmem:v44+s23+$0x0], $0xffff;
	v2 =	vadd.f32 v3, v2;
	v3 =	vmul.f32 v7, v43  }
0x14a: {  	v49 =	vor.u32 $0x37, v1;
	v7 =	vld.idx.msk [tilespmem:v44+s24+$0x0], $0xffff  }
0x14b: {  	v50 =	vld.idx.msk [tilespmem:v46+s23+$0x0], $0xffff;
	v2 =	vadd.f32 v3, v2;
	v3 =	vmul.f32 v4, v45  }
0x14c: {  	v51 =	vor.u32 $0x38, v1;
	v4 =	vld.idx.msk [tilespmem:v46+s24+$0x0], $0xffff  }
0x14d: {  	v52 =	vld.idx.msk [tilespmem:v6+s23+$0x0], $0xffff;
	v2 =	vadd.f32 v3, v2;
	v3 =	vmul.f32 v5, v47  }
0x14e: {  	v5 =	vld.idx.msk [tilespmem:v6+s24+$0x0], $0xffff;
	v6 =	vor.u32 $0x39, v1  }
0x14f: {  	v53 =	vld.idx.msk [tilespmem:v49+s23+$0x0], $0xffff;
	v2 =	vadd.f32 v3, v2;
	v3 =	vmul.f32 v7, v48  }
0x150: {  	v54 =	vor.u32 $0x3A, v1;
	v7 =	vld.idx.msk [tilespmem:v49+s24+$0x0], $0xffff  }
0x151: {  	v55 =	vld.idx.msk [tilespmem:v51+s23+$0x0], $0xffff;
	v2 =	vadd.f32 v3, v2;
	v3 =	vmul.f32 v4, v50  }
0x152: {  	v56 =	vor.u32 $0x3B, v1;
	v4 =	vld.idx.msk [tilespmem:v51+s24+$0x0], $0xffff  }
0x153: {  	v57 =	vld.idx.msk [tilespmem:v6+s23+$0x0], $0xffff;
	v2 =	vadd.f32 v3, v2;
	v3 =	vmul.f32 v5, v52  }
0x154: {  	v5 =	vld.idx.msk [tilespmem:v6+s24+$0x0], $0xffff;
	v6 =	vor.u32 $0x3C, v1  }
0x155: {  	v58 =	vld.idx.msk [tilespmem:v54+s23+$0x0], $0xffff;
	v2 =	vadd.f32 v3, v2;
	v3 =	vmul.f32 v7, v53  }
0x156: {  	v7 =	vld.idx.msk [tilespmem:v54+s24+$0x0], $0xffff  }
0x157: {  	v60 =	vld.idx.msk [tilespmem:v56+s23+$0x0], $0xffff;
	v2 =	vadd.f32 v3, v2;
	v3 =	vmul.f32 v4, v55  }
0x158: {  	v59 =	vor.u32 $0x3D, v1;
	v4 =	vld.idx.msk [tilespmem:v56+s24+$0x0], $0xffff  }
0x159: {  	v62 =	vld.idx.msk [tilespmem:v6+s23+$0x0], $0xffff;
	v2 =	vadd.f32 v3, v2;
	v3 =	vmul.f32 v5, v57  }
0x15a: {  	v61 =	vor.u32 $0x3E, v1;
	v5 =	vld.idx.msk [tilespmem:v6+s24+$0x0], $0xffff  }
0x15b: {  	v2 =	vadd.f32 v3, v2;
	v3 =	vmul.f32 v7, v58  }
0x15c: {  	v1 =	vor.u32 $0x3F, v1  }
0x15d: {  	v6 =	vld.idx.msk [tilespmem:v59+s23+$0x0], $0xffff;
	v2 =	vadd.f32 v3, v2;
	v3 =	vmul.f32 v4, v60  }
0x15e: {  	v7 =	vld.idx.msk [tilespmem:v59+s24+$0x0], $0xffff  }
0x15f: {  	v63 =	vld.idx.msk [tilespmem:v61+s23+$0x0], $0xffff;
	v2 =	vadd.f32 v3, v2;
	v3 =	vmul.f32 v5, v62  }
0x160: {  	v9 =	vld.idx.msk [tilespmem:v61+s24+$0x0], $0xffff  }
0x161: {  	v4 =	vadd.f32 v3, v2;
	v2 =	vld.idx.msk [tilespmem:v1+s23+$0x0], $0xffff  }
0x162: {  	v3 =	vld.idx.msk [tilespmem:v1+s24+$0x0], $0xffff  }
0x163: {  	v5 =	vmul.f32 v7, v6  }
0x164: {  	s28 =	simm.s32 $0x20  }
0x165: {  	v6 =	vmov s28;
	v4 =	vadd.f32 v5, v4;
	v5 =	vmul.f32 v9, v63  }
0x166: {  	s29 =	simm.s32 $0x30;
	s28 =	simm.s32 $0x10400;
	v1 =	vshll.u32 v6, $0x6  }
.LBB2_2:
0x167: {  	p0 =	sne.s32 s29, $0x1F0;
	v1 =	vor.u32 v0, v1;
	v4 =	vadd.f32 v5, v4;
	v2 =	vmul.f32 v3, v2;
	_ =	sdelay $0x1  }
0x168: {  	v3 =	vor.u32 $0x1, v1;
	v2 =	vadd.f32 v2, v4  }
0x169: {  	s28 =	sadd.s32 $0x10, s28  }
0x16a: {  	v4 =	vor.u32 $0x2, v1;
	[tilespmem:s28+$0x0] =	vst v2  }
0x16b: {  	v2 =	vld.idx.msk [tilespmem:v1+s24+$0x0], $0xffff  }
0x16c: {  	v6 =	vor.u32 $0x3, v1;
	v5 =	vld.idx.msk [tilespmem:v1+s23+$0x0], $0xffff  }
0x16d: {  	v7 =	vld.idx.msk [tilespmem:v3+s23+$0x0], $0xffff  }
0x16e: {  	v8 =	vor.u32 $0x4, v1;
	v3 =	vld.idx.msk [tilespmem:v3+s24+$0x0], $0xffff  }
0x16f: {  	v9 =	vld.idx.msk [tilespmem:v4+s23+$0x0], $0xffff  }
0x170: {  	v10 =	vor.u32 $0x5, v1;
	v4 =	vld.idx.msk [tilespmem:v4+s24+$0x0], $0xffff  }
0x171: {  	v11 =	vld.idx.msk [tilespmem:v6+s23+$0x0], $0xffff  }
0x172: {  	v2 =	vmul.f32 v2, v5;
	v5 =	vld.idx.msk [tilespmem:v6+s24+$0x0], $0xffff;
	v6 =	vor.u32 $0x6, v1  }
0x173: {  	v12 =	vld.idx.msk [tilespmem:v8+s23+$0x0], $0xffff  }
0x174: {  	v2 =	vadd.f32 $0.0e+00, v2;
	v3 =	vmul.f32 v3, v7;
	v7 =	vld.idx.msk [tilespmem:v8+s24+$0x0], $0xffff;
	v8 =	vor.u32 $0x7, v1  }
0x175: {  	v13 =	vld.idx.msk [tilespmem:v10+s23+$0x0], $0xffff  }
0x176: {  	v2 =	vadd.f32 v3, v2;
	v3 =	vmul.f32 v4, v9;
	v9 =	vor.u32 $0x8, v1;
	v4 =	vld.idx.msk [tilespmem:v10+s24+$0x0], $0xffff  }
0x177: {  	v10 =	vld.idx.msk [tilespmem:v6+s23+$0x0], $0xffff  }
0x178: {  	v2 =	vadd.f32 v3, v2;
	v3 =	vmul.f32 v5, v11;
	v5 =	vld.idx.msk [tilespmem:v6+s24+$0x0], $0xffff;
	v6 =	vor.u32 $0x9, v1  }
0x179: {  	v11 =	vld.idx.msk [tilespmem:v8+s23+$0x0], $0xffff  }
0x17a: {  	v2 =	vadd.f32 v3, v2;
	v3 =	vmul.f32 v7, v12;
	v7 =	vld.idx.msk [tilespmem:v8+s24+$0x0], $0xffff;
	v8 =	vor.u32 $0xA, v1  }
0x17b: {  	v12 =	vld.idx.msk [tilespmem:v9+s23+$0x0], $0xffff  }
0x17c: {  	v2 =	vadd.f32 v3, v2;
	v3 =	vmul.f32 v4, v13;
	v4 =	vld.idx.msk [tilespmem:v9+s24+$0x0], $0xffff;
	v9 =	vor.u32 $0xB, v1  }
0x17d: {  	v13 =	vld.idx.msk [tilespmem:v6+s23+$0x0], $0xffff  }
0x17e: {  	v2 =	vadd.f32 v3, v2;
	v3 =	vmul.f32 v5, v10;
	v5 =	vld.idx.msk [tilespmem:v6+s24+$0x0], $0xffff;
	v6 =	vor.u32 $0xC, v1  }
0x17f: {  	v10 =	vld.idx.msk [tilespmem:v8+s23+$0x0], $0xffff  }
0x180: {  	v2 =	vadd.f32 v3, v2;
	v3 =	vmul.f32 v7, v11;
	v7 =	vld.idx.msk [tilespmem:v8+s24+$0x0], $0xffff;
	v8 =	vor.u32 $0xD, v1  }
0x181: {  	v11 =	vld.idx.msk [tilespmem:v9+s23+$0x0], $0xffff  }
0x182: {  	v2 =	vadd.f32 v3, v2;
	v3 =	vmul.f32 v4, v12;
	v4 =	vld.idx.msk [tilespmem:v9+s24+$0x0], $0xffff;
	v9 =	vor.u32 $0xE, v1  }
0x183: {  	v12 =	vld.idx.msk [tilespmem:v6+s23+$0x0], $0xffff  }
0x184: {  	v2 =	vadd.f32 v3, v2;
	v3 =	vmul.f32 v5, v13;
	v5 =	vld.idx.msk [tilespmem:v6+s24+$0x0], $0xffff;
	v6 =	vor.u32 $0xF, v1  }
0x185: {  	v13 =	vld.idx.msk [tilespmem:v8+s23+$0x0], $0xffff  }
0x186: {  	v2 =	vadd.f32 v3, v2;
	v3 =	vmul.f32 v7, v10;
	v7 =	vld.idx.msk [tilespmem:v8+s24+$0x0], $0xffff;
	v8 =	vor.u32 $0x10, v1  }
0x187: {  	v10 =	vld.idx.msk [tilespmem:v9+s23+$0x0], $0xffff  }
0x188: {  	v2 =	vadd.f32 v3, v2;
	v3 =	vmul.f32 v4, v11;
	v4 =	vld.idx.msk [tilespmem:v9+s24+$0x0], $0xffff;
	v9 =	vor.u32 $0x11, v1  }
0x189: {  	v11 =	vld.idx.msk [tilespmem:v6+s23+$0x0], $0xffff  }
0x18a: {  	v2 =	vadd.f32 v3, v2;
	v3 =	vmul.f32 v5, v12;
	v5 =	vld.idx.msk [tilespmem:v6+s24+$0x0], $0xffff;
	v6 =	vor.u32 $0x12, v1  }
0x18b: {  	v12 =	vld.idx.msk [tilespmem:v8+s23+$0x0], $0xffff  }
0x18c: {  	v2 =	vadd.f32 v3, v2;
	v3 =	vmul.f32 v7, v13;
	v7 =	vld.idx.msk [tilespmem:v8+s24+$0x0], $0xffff;
	v8 =	vor.u32 $0x13, v1  }
0x18d: {  	v13 =	vld.idx.msk [tilespmem:v9+s23+$0x0], $0xffff  }
0x18e: {  	v2 =	vadd.f32 v3, v2;
	v3 =	vmul.f32 v4, v10;
	v4 =	vld.idx.msk [tilespmem:v9+s24+$0x0], $0xffff;
	v9 =	vor.u32 $0x14, v1  }
0x18f: {  	v10 =	vld.idx.msk [tilespmem:v6+s23+$0x0], $0xffff  }
0x190: {  	v2 =	vadd.f32 v3, v2;
	v3 =	vmul.f32 v5, v11;
	v5 =	vld.idx.msk [tilespmem:v6+s24+$0x0], $0xffff;
	v6 =	vor.u32 $0x15, v1  }
0x191: {  	v11 =	vld.idx.msk [tilespmem:v8+s23+$0x0], $0xffff  }
0x192: {  	v2 =	vadd.f32 v3, v2;
	v3 =	vmul.f32 v7, v12;
	v7 =	vld.idx.msk [tilespmem:v8+s24+$0x0], $0xffff;
	v8 =	vor.u32 $0x16, v1  }
0x193: {  	v12 =	vld.idx.msk [tilespmem:v9+s23+$0x0], $0xffff  }
0x194: {  	v2 =	vadd.f32 v3, v2;
	v3 =	vmul.f32 v4, v13;
	v4 =	vld.idx.msk [tilespmem:v9+s24+$0x0], $0xffff;
	v9 =	vor.u32 $0x17, v1  }
0x195: {  	v13 =	vld.idx.msk [tilespmem:v6+s23+$0x0], $0xffff  }
0x196: {  	v2 =	vadd.f32 v3, v2;
	v3 =	vmul.f32 v5, v10;
	v5 =	vld.idx.msk [tilespmem:v6+s24+$0x0], $0xffff;
	v6 =	vor.u32 $0x18, v1  }
0x197: {  	v10 =	vld.idx.msk [tilespmem:v8+s23+$0x0], $0xffff  }
0x198: {  	v2 =	vadd.f32 v3, v2;
	v3 =	vmul.f32 v7, v11;
	v7 =	vld.idx.msk [tilespmem:v8+s24+$0x0], $0xffff;
	v8 =	vor.u32 $0x19, v1  }
0x199: {  	v11 =	vld.idx.msk [tilespmem:v9+s23+$0x0], $0xffff  }
0x19a: {  	v2 =	vadd.f32 v3, v2;
	v3 =	vmul.f32 v4, v12;
	v4 =	vld.idx.msk [tilespmem:v9+s24+$0x0], $0xffff;
	v9 =	vor.u32 $0x1A, v1  }
0x19b: {  	v12 =	vld.idx.msk [tilespmem:v6+s23+$0x0], $0xffff  }
0x19c: {  	v2 =	vadd.f32 v3, v2;
	v3 =	vmul.f32 v5, v13;
	v5 =	vld.idx.msk [tilespmem:v6+s24+$0x0], $0xffff;
	v6 =	vor.u32 $0x1B, v1  }
0x19d: {  	v13 =	vld.idx.msk [tilespmem:v8+s23+$0x0], $0xffff  }
0x19e: {  	v2 =	vadd.f32 v3, v2;
	v3 =	vmul.f32 v7, v10;
	v7 =	vld.idx.msk [tilespmem:v8+s24+$0x0], $0xffff;
	v8 =	vor.u32 $0x1C, v1  }
0x19f: {  	v10 =	vld.idx.msk [tilespmem:v9+s23+$0x0], $0xffff  }
0x1a0: {  	v2 =	vadd.f32 v3, v2;
	v3 =	vmul.f32 v4, v11;
	v4 =	vld.idx.msk [tilespmem:v9+s24+$0x0], $0xffff;
	v9 =	vor.u32 $0x1D, v1  }
0x1a1: {  	v11 =	vld.idx.msk [tilespmem:v6+s23+$0x0], $0xffff  }
0x1a2: {  	v2 =	vadd.f32 v3, v2;
	v3 =	vmul.f32 v5, v12;
	v5 =	vld.idx.msk [tilespmem:v6+s24+$0x0], $0xffff;
	v6 =	vor.u32 $0x1E, v1  }
0x1a3: {  	v12 =	vld.idx.msk [tilespmem:v8+s23+$0x0], $0xffff  }
0x1a4: {  	v2 =	vadd.f32 v3, v2;
	v3 =	vmul.f32 v7, v13;
	v7 =	vld.idx.msk [tilespmem:v8+s24+$0x0], $0xffff;
	v8 =	vor.u32 $0x1F, v1  }
0x1a5: {  	v13 =	vld.idx.msk [tilespmem:v9+s23+$0x0], $0xffff  }
0x1a6: {  	v2 =	vadd.f32 v3, v2;
	v3 =	vmul.f32 v4, v10;
	v4 =	vld.idx.msk [tilespmem:v9+s24+$0x0], $0xffff;
	v9 =	vor.u32 $0x20, v1  }
0x1a7: {  	v10 =	vld.idx.msk [tilespmem:v6+s23+$0x0], $0xffff  }
0x1a8: {  	v2 =	vadd.f32 v3, v2;
	v3 =	vmul.f32 v5, v11;
	v5 =	vld.idx.msk [tilespmem:v6+s24+$0x0], $0xffff;
	v6 =	vor.u32 $0x21, v1  }
0x1a9: {  	v11 =	vld.idx.msk [tilespmem:v8+s23+$0x0], $0xffff  }
0x1aa: {  	v2 =	vadd.f32 v3, v2;
	v3 =	vmul.f32 v7, v12;
	v7 =	vld.idx.msk [tilespmem:v8+s24+$0x0], $0xffff;
	v8 =	vor.u32 $0x22, v1  }
0x1ab: {  	v12 =	vld.idx.msk [tilespmem:v9+s23+$0x0], $0xffff  }
0x1ac: {  	v2 =	vadd.f32 v3, v2;
	v3 =	vmul.f32 v4, v13;
	v4 =	vld.idx.msk [tilespmem:v9+s24+$0x0], $0xffff;
	v9 =	vor.u32 $0x23, v1  }
0x1ad: {  	v13 =	vld.idx.msk [tilespmem:v6+s23+$0x0], $0xffff  }
0x1ae: {  	v2 =	vadd.f32 v3, v2;
	v3 =	vmul.f32 v5, v10;
	v5 =	vld.idx.msk [tilespmem:v6+s24+$0x0], $0xffff;
	v6 =	vor.u32 $0x24, v1  }
0x1af: {  	v10 =	vld.idx.msk [tilespmem:v8+s23+$0x0], $0xffff  }
0x1b0: {  	v2 =	vadd.f32 v3, v2;
	v3 =	vmul.f32 v7, v11;
	v7 =	vld.idx.msk [tilespmem:v8+s24+$0x0], $0xffff;
	v8 =	vor.u32 $0x25, v1  }
0x1b1: {  	v11 =	vld.idx.msk [tilespmem:v9+s23+$0x0], $0xffff  }
0x1b2: {  	v2 =	vadd.f32 v3, v2;
	v3 =	vmul.f32 v4, v12;
	v4 =	vld.idx.msk [tilespmem:v9+s24+$0x0], $0xffff;
	v9 =	vor.u32 $0x26, v1  }
0x1b3: {  	v12 =	vld.idx.msk [tilespmem:v6+s23+$0x0], $0xffff  }
0x1b4: {  	v2 =	vadd.f32 v3, v2;
	v3 =	vmul.f32 v5, v13;
	v5 =	vld.idx.msk [tilespmem:v6+s24+$0x0], $0xffff;
	v6 =	vor.u32 $0x27, v1  }
0x1b5: {  	v13 =	vld.idx.msk [tilespmem:v8+s23+$0x0], $0xffff  }
0x1b6: {  	v2 =	vadd.f32 v3, v2;
	v3 =	vmul.f32 v7, v10;
	v7 =	vld.idx.msk [tilespmem:v8+s24+$0x0], $0xffff;
	v8 =	vor.u32 $0x28, v1  }
0x1b7: {  	v10 =	vld.idx.msk [tilespmem:v9+s23+$0x0], $0xffff  }
0x1b8: {  	v2 =	vadd.f32 v3, v2;
	v3 =	vmul.f32 v4, v11;
	v4 =	vld.idx.msk [tilespmem:v9+s24+$0x0], $0xffff;
	v9 =	vor.u32 $0x29, v1  }
0x1b9: {  	v11 =	vld.idx.msk [tilespmem:v6+s23+$0x0], $0xffff  }
0x1ba: {  	v2 =	vadd.f32 v3, v2;
	v3 =	vmul.f32 v5, v12;
	v5 =	vld.idx.msk [tilespmem:v6+s24+$0x0], $0xffff;
	v6 =	vor.u32 $0x2A, v1  }
0x1bb: {  	v12 =	vld.idx.msk [tilespmem:v8+s23+$0x0], $0xffff  }
0x1bc: {  	v2 =	vadd.f32 v3, v2;
	v3 =	vmul.f32 v7, v13;
	v7 =	vld.idx.msk [tilespmem:v8+s24+$0x0], $0xffff;
	v8 =	vor.u32 $0x2B, v1  }
0x1bd: {  	v13 =	vld.idx.msk [tilespmem:v9+s23+$0x0], $0xffff  }
0x1be: {  	v2 =	vadd.f32 v3, v2;
	v3 =	vmul.f32 v4, v10;
	v4 =	vld.idx.msk [tilespmem:v9+s24+$0x0], $0xffff;
	v9 =	vor.u32 $0x2C, v1  }
0x1bf: {  	v10 =	vld.idx.msk [tilespmem:v6+s23+$0x0], $0xffff  }
0x1c0: {  	v2 =	vadd.f32 v3, v2;
	v3 =	vmul.f32 v5, v11;
	v5 =	vld.idx.msk [tilespmem:v6+s24+$0x0], $0xffff;
	v6 =	vor.u32 $0x2D, v1  }
0x1c1: {  	v11 =	vld.idx.msk [tilespmem:v8+s23+$0x0], $0xffff  }
0x1c2: {  	v2 =	vadd.f32 v3, v2;
	v3 =	vmul.f32 v7, v12;
	v7 =	vld.idx.msk [tilespmem:v8+s24+$0x0], $0xffff;
	v8 =	vor.u32 $0x2E, v1  }
0x1c3: {  	v12 =	vld.idx.msk [tilespmem:v9+s23+$0x0], $0xffff  }
0x1c4: {  	v2 =	vadd.f32 v3, v2;
	v3 =	vmul.f32 v4, v13;
	v4 =	vld.idx.msk [tilespmem:v9+s24+$0x0], $0xffff;
	v9 =	vor.u32 $0x2F, v1  }
0x1c5: {  	v13 =	vld.idx.msk [tilespmem:v6+s23+$0x0], $0xffff  }
0x1c6: {  	v2 =	vadd.f32 v3, v2;
	v3 =	vmul.f32 v5, v10;
	v5 =	vld.idx.msk [tilespmem:v6+s24+$0x0], $0xffff;
	v6 =	vor.u32 $0x30, v1  }
0x1c7: {  	v10 =	vld.idx.msk [tilespmem:v8+s23+$0x0], $0xffff  }
0x1c8: {  	v2 =	vadd.f32 v3, v2;
	v3 =	vmul.f32 v7, v11;
	v7 =	vld.idx.msk [tilespmem:v8+s24+$0x0], $0xffff;
	v8 =	vor.u32 $0x31, v1  }
0x1c9: {  	v11 =	vld.idx.msk [tilespmem:v9+s23+$0x0], $0xffff  }
0x1ca: {  	v2 =	vadd.f32 v3, v2;
	v3 =	vmul.f32 v4, v12;
	v4 =	vld.idx.msk [tilespmem:v9+s24+$0x0], $0xffff;
	v9 =	vor.u32 $0x32, v1  }
0x1cb: {  	v12 =	vld.idx.msk [tilespmem:v6+s23+$0x0], $0xffff  }
0x1cc: {  	v2 =	vadd.f32 v3, v2;
	v3 =	vmul.f32 v5, v13;
	v5 =	vld.idx.msk [tilespmem:v6+s24+$0x0], $0xffff;
	v6 =	vor.u32 $0x33, v1  }
0x1cd: {  	v13 =	vld.idx.msk [tilespmem:v8+s23+$0x0], $0xffff  }
0x1ce: {  	v2 =	vadd.f32 v3, v2;
	v3 =	vmul.f32 v7, v10;
	v7 =	vld.idx.msk [tilespmem:v8+s24+$0x0], $0xffff;
	v8 =	vor.u32 $0x34, v1  }
0x1cf: {  	v10 =	vld.idx.msk [tilespmem:v9+s23+$0x0], $0xffff  }
0x1d0: {  	v2 =	vadd.f32 v3, v2;
	v3 =	vmul.f32 v4, v11;
	v4 =	vld.idx.msk [tilespmem:v9+s24+$0x0], $0xffff;
	v9 =	vor.u32 $0x35, v1  }
0x1d1: {  	v11 =	vld.idx.msk [tilespmem:v6+s23+$0x0], $0xffff  }
0x1d2: {  	v2 =	vadd.f32 v3, v2;
	v3 =	vmul.f32 v5, v12;
	v5 =	vld.idx.msk [tilespmem:v6+s24+$0x0], $0xffff;
	v6 =	vor.u32 $0x36, v1  }
0x1d3: {  	v12 =	vld.idx.msk [tilespmem:v8+s23+$0x0], $0xffff  }
0x1d4: {  	v2 =	vadd.f32 v3, v2;
	v3 =	vmul.f32 v7, v13;
	v7 =	vld.idx.msk [tilespmem:v8+s24+$0x0], $0xffff;
	v8 =	vor.u32 $0x37, v1  }
0x1d5: {  	v13 =	vld.idx.msk [tilespmem:v9+s23+$0x0], $0xffff  }
0x1d6: {  	v2 =	vadd.f32 v3, v2;
	v3 =	vmul.f32 v4, v10;
	v4 =	vld.idx.msk [tilespmem:v9+s24+$0x0], $0xffff;
	v9 =	vor.u32 $0x38, v1  }
0x1d7: {  	v10 =	vld.idx.msk [tilespmem:v6+s23+$0x0], $0xffff  }
0x1d8: {  	v2 =	vadd.f32 v3, v2;
	v3 =	vmul.f32 v5, v11;
	v5 =	vld.idx.msk [tilespmem:v6+s24+$0x0], $0xffff;
	v6 =	vor.u32 $0x39, v1  }
0x1d9: {  	v11 =	vld.idx.msk [tilespmem:v8+s23+$0x0], $0xffff  }
0x1da: {  	v2 =	vadd.f32 v3, v2;
	v3 =	vmul.f32 v7, v12;
	v7 =	vld.idx.msk [tilespmem:v8+s24+$0x0], $0xffff;
	v8 =	vor.u32 $0x3A, v1  }
0x1db: {  	v12 =	vld.idx.msk [tilespmem:v9+s23+$0x0], $0xffff  }
0x1dc: {  	v2 =	vadd.f32 v3, v2;
	v3 =	vmul.f32 v4, v13;
	v4 =	vld.idx.msk [tilespmem:v9+s24+$0x0], $0xffff;
	v9 =	vor.u32 $0x3B, v1  }
0x1dd: {  	v13 =	vld.idx.msk [tilespmem:v6+s23+$0x0], $0xffff  }
0x1de: {  	v2 =	vadd.f32 v3, v2;
	v3 =	vmul.f32 v5, v10;
	v5 =	vld.idx.msk [tilespmem:v6+s24+$0x0], $0xffff;
	v6 =	vor.u32 $0x3C, v1  }
0x1df: {  	v10 =	vld.idx.msk [tilespmem:v8+s23+$0x0], $0xffff  }
0x1e0: {  	v2 =	vadd.f32 v3, v2;
	v3 =	vmul.f32 v7, v11;
	v7 =	vld.idx.msk [tilespmem:v8+s24+$0x0], $0xffff;
	v8 =	vor.u32 $0x3D, v1  }
0x1e1: {  	v11 =	vld.idx.msk [tilespmem:v9+s23+$0x0], $0xffff  }
0x1e2: {  	v2 =	vadd.f32 v3, v2;
	v3 =	vmul.f32 v4, v12;
	v4 =	vld.idx.msk [tilespmem:v9+s24+$0x0], $0xffff;
	v9 =	vor.u32 $0x3E, v1  }
0x1e3: {  	v12 =	vld.idx.msk [tilespmem:v6+s23+$0x0], $0xffff  }
0x1e4: {  	v1 =	vor.u32 $0x3F, v1;
	v2 =	vadd.f32 v3, v2;
	v3 =	vmul.f32 v5, v13;
	v5 =	vld.idx.msk [tilespmem:v6+s24+$0x0], $0xffff  }
0x1e5: {  	v6 =	vld.idx.msk [tilespmem:v8+s23+$0x0], $0xffff  }
0x1e6: {  	v2 =	vadd.f32 v3, v2;
	v3 =	vmul.f32 v7, v10;
	v7 =	vld.idx.msk [tilespmem:v8+s24+$0x0], $0xffff  }
0x1e7: {  	v8 =	vld.idx.msk [tilespmem:v9+s23+$0x0], $0xffff  }
0x1e8: {  	v3 =	vadd.f32 v3, v2;
	v4 =	vmul.f32 v4, v11;
	v9 =	vld.idx.msk [tilespmem:v9+s24+$0x0], $0xffff  }
0x1e9: {  	v2 =	vld.idx.msk [tilespmem:v1+s23+$0x0], $0xffff  }
0x1ea: {  	v4 =	vadd.f32 v4, v3;
	v5 =	vmul.f32 v5, v12;
	v3 =	vld.idx.msk [tilespmem:v1+s24+$0x0], $0xffff  }
.Ltmp0:
0x1eb: {  	(pc) =	sbr.rel @p0 .LBB2_2-.Ltmp0, $3  }
0x1ec: {  	v1 =	vadd.f32 v5, v4;
	v4 =	vmul.f32 v7, v6;
	_ =	sdelay $0x1  }
0x1ed: {  	v6 =	vmov s29;
	v4 =	vadd.f32 v4, v1;
	v5 =	vmul.f32 v9, v8  }
0x1ee: {  	s29 =	sadd.s32 $0x10, s29;
	v1 =	vshll.u32 v6, $0x6  }
0x1ef: {  	v1 =	vor.u32 v0, v1;
	v4 =	vadd.f32 v5, v4;
	v2 =	vmul.f32 v3, v2;
	_ =	sdelay $0x1  }
0x1f0: {  	v3 =	vor.u32 $0x1, v1;
	v2 =	vadd.f32 v2, v4  }
0x1f1: {  	s28 =	sadd.s32 $0x10, s28  }
0x1f2: {  	v31 =	vor.u32 $0x2, v1;
	[tilespmem:s28+$0x0] =	vst v2  }
0x1f3: {  	v2 =	vld.idx.msk [tilespmem:v1+s24+$0x0], $0xffff  }
0x1f4: {  	v6 =	vor.u32 $0x3, v1;
	v32 =	vld.idx.msk [tilespmem:v1+s23+$0x0], $0xffff  }
0x1f5: {  	v7 =	vld.idx.msk [tilespmem:v3+s23+$0x0], $0xffff  }
0x1f6: {  	v8 =	vor.u32 $0x4, v1;
	v3 =	vld.idx.msk [tilespmem:v3+s24+$0x0], $0xffff  }
0x1f7: {  	v9 =	vld.idx.msk [tilespmem:v31+s23+$0x0], $0xffff  }
0x1f8: {  	v10 =	vor.u32 $0x5, v1;
	v4 =	vld.idx.msk [tilespmem:v31+s24+$0x0], $0xffff  }
0x1f9: {  	v11 =	vld.idx.msk [tilespmem:v6+s23+$0x0], $0xffff;
	v2 =	vmul.f32 v2, v32  }
0x1fa: {  	v34 =	vor.u32 $0x6, v1;
	v33 =	vld.idx.msk [tilespmem:v6+s24+$0x0], $0xffff  }
0x1fb: {  	v12 =	vld.idx.msk [tilespmem:v8+s23+$0x0], $0xffff;
	v3 =	vmul.f32 v3, v7;
	v2 =	vadd.f32 $0.0e+00, v2  }
0x1fc: {  	v36 =	vor.u32 $0x7, v1;
	v35 =	vld.idx.msk [tilespmem:v8+s24+$0x0], $0xffff  }
0x1fd: {  	v13 =	vld.idx.msk [tilespmem:v10+s23+$0x0], $0xffff;
	v2 =	vadd.f32 v3, v2;
	v3 =	vmul.f32 v4, v9  }
0x1fe: {  	v38 =	vor.u32 $0x8, v1;
	v37 =	vld.idx.msk [tilespmem:v10+s24+$0x0], $0xffff  }
0x1ff: {  	v39 =	vld.idx.msk [tilespmem:v34+s23+$0x0], $0xffff;
	v2 =	vadd.f32 v3, v2;
	v3 =	vmul.f32 v33, v11  }
0x200: {  	v41 =	vor.u32 $0x9, v1;
	v40 =	vld.idx.msk [tilespmem:v34+s24+$0x0], $0xffff  }
0x201: {  	v42 =	vld.idx.msk [tilespmem:v36+s23+$0x0], $0xffff;
	v2 =	vadd.f32 v3, v2;
	v3 =	vmul.f32 v35, v12  }
0x202: {  	v44 =	vor.u32 $0xA, v1;
	v43 =	vld.idx.msk [tilespmem:v36+s24+$0x0], $0xffff  }
0x203: {  	v45 =	vld.idx.msk [tilespmem:v38+s23+$0x0], $0xffff;
	v2 =	vadd.f32 v3, v2;
	v3 =	vmul.f32 v37, v13  }
0x204: {  	v47 =	vor.u32 $0xB, v1;
	v46 =	vld.idx.msk [tilespmem:v38+s24+$0x0], $0xffff  }
0x205: {  	v48 =	vld.idx.msk [tilespmem:v41+s23+$0x0], $0xffff;
	v2 =	vadd.f32 v3, v2;
	v3 =	vmul.f32 v40, v39  }
0x206: {  	v50 =	vor.u32 $0xC, v1;
	v49 =	vld.idx.msk [tilespmem:v41+s24+$0x0], $0xffff  }
0x207: {  	v51 =	vld.idx.msk [tilespmem:v44+s23+$0x0], $0xffff;
	v2 =	vadd.f32 v3, v2;
	v3 =	vmul.f32 v43, v42  }
0x208: {  	v53 =	vor.u32 $0xD, v1;
	v52 =	vld.idx.msk [tilespmem:v44+s24+$0x0], $0xffff  }
0x209: {  	v54 =	vld.idx.msk [tilespmem:v47+s23+$0x0], $0xffff;
	v2 =	vadd.f32 v3, v2;
	v3 =	vmul.f32 v46, v45  }
0x20a: {  	v56 =	vor.u32 $0xE, v1;
	v55 =	vld.idx.msk [tilespmem:v47+s24+$0x0], $0xffff  }
0x20b: {  	v57 =	vld.idx.msk [tilespmem:v50+s23+$0x0], $0xffff;
	v2 =	vadd.f32 v3, v2;
	v3 =	vmul.f32 v49, v48  }
0x20c: {  	v59 =	vor.u32 $0xF, v1;
	v58 =	vld.idx.msk [tilespmem:v50+s24+$0x0], $0xffff  }
0x20d: {  	v60 =	vld.idx.msk [tilespmem:v53+s23+$0x0], $0xffff;
	v2 =	vadd.f32 v3, v2;
	v3 =	vmul.f32 v52, v51  }
0x20e: {  	v62 =	vor.u32 $0x10, v1;
	v61 =	vld.idx.msk [tilespmem:v53+s24+$0x0], $0xffff  }
0x20f: {  	v63 =	vld.idx.msk [tilespmem:v56+s23+$0x0], $0xffff;
	v2 =	vadd.f32 v3, v2;
	v3 =	vmul.f32 v55, v54  }
0x210: {  	v17 =	vor.u32 $0x11, v1;
	v16 =	vld.idx.msk [tilespmem:v56+s24+$0x0], $0xffff  }
0x211: {  	v18 =	vld.idx.msk [tilespmem:v59+s23+$0x0], $0xffff;
	v2 =	vadd.f32 v3, v2;
	v3 =	vmul.f32 v58, v57  }
0x212: {  	v20 =	vor.u32 $0x12, v1;
	v19 =	vld.idx.msk [tilespmem:v59+s24+$0x0], $0xffff  }
0x213: {  	v21 =	vld.idx.msk [tilespmem:v62+s23+$0x0], $0xffff;
	v2 =	vadd.f32 v3, v2;
	v3 =	vmul.f32 v61, v60  }
0x214: {  	v23 =	vor.u32 $0x13, v1;
	v22 =	vld.idx.msk [tilespmem:v62+s24+$0x0], $0xffff  }
0x215: {  	v24 =	vld.idx.msk [tilespmem:v17+s23+$0x0], $0xffff;
	v2 =	vadd.f32 v3, v2;
	v3 =	vmul.f32 v16, v63  }
0x216: {  	v26 =	vor.u32 $0x14, v1;
	v25 =	vld.idx.msk [tilespmem:v17+s24+$0x0], $0xffff  }
0x217: {  	v27 =	vld.idx.msk [tilespmem:v20+s23+$0x0], $0xffff;
	v2 =	vadd.f32 v3, v2;
	v3 =	vmul.f32 v19, v18  }
0x218: {  	v29 =	vor.u32 $0x15, v1;
	v28 =	vld.idx.msk [tilespmem:v20+s24+$0x0], $0xffff  }
0x219: {  	v30 =	vld.idx.msk [tilespmem:v23+s23+$0x0], $0xffff;
	v2 =	vadd.f32 v3, v2;
	v3 =	vmul.f32 v22, v21  }
0x21a: {  	v31 =	vld.idx.msk [tilespmem:v23+s24+$0x0], $0xffff;
	v32 =	vor.u32 $0x16, v1  }
0x21b: {  	v34 =	vld.idx.msk [tilespmem:v26+s24+$0x0], $0xffff;
	v2 =	vadd.f32 v3, v2;
	v3 =	vmul.f32 v25, v24  }
0x21c: {  	v33 =	vld.idx.msk [tilespmem:v26+s23+$0x0], $0xffff;
	v35 =	vor.u32 $0x17, v1  }
0x21d: {  	v36 =	vld.idx.msk [tilespmem:v29+s23+$0x0], $0xffff;
	v2 =	vadd.f32 v3, v2;
	v3 =	vmul.f32 v28, v27  }
0x21e: {  	v38 =	vor.u32 $0x18, v1;
	v37 =	vld.idx.msk [tilespmem:v29+s24+$0x0], $0xffff  }
0x21f: {  	v39 =	vld.idx.msk [tilespmem:v32+s23+$0x0], $0xffff;
	v2 =	vadd.f32 v3, v2;
	v3 =	vmul.f32 v31, v30  }
0x220: {  	v41 =	vor.u32 $0x19, v1;
	v40 =	vld.idx.msk [tilespmem:v32+s24+$0x0], $0xffff  }
0x221: {  	v42 =	vld.idx.msk [tilespmem:v35+s23+$0x0], $0xffff;
	v2 =	vadd.f32 v3, v2;
	v3 =	vmul.f32 v34, v33  }
0x222: {  	v44 =	vor.u32 $0x1A, v1;
	v43 =	vld.idx.msk [tilespmem:v35+s24+$0x0], $0xffff  }
0x223: {  	v45 =	vld.idx.msk [tilespmem:v38+s23+$0x0], $0xffff;
	v2 =	vadd.f32 v3, v2;
	v3 =	vmul.f32 v37, v36  }
0x224: {  	v47 =	vor.u32 $0x1B, v1;
	v46 =	vld.idx.msk [tilespmem:v38+s24+$0x0], $0xffff  }
0x225: {  	v48 =	vld.idx.msk [tilespmem:v41+s23+$0x0], $0xffff;
	v2 =	vadd.f32 v3, v2;
	v3 =	vmul.f32 v40, v39  }
0x226: {  	v50 =	vor.u32 $0x1C, v1;
	v49 =	vld.idx.msk [tilespmem:v41+s24+$0x0], $0xffff  }
0x227: {  	v51 =	vld.idx.msk [tilespmem:v44+s23+$0x0], $0xffff;
	v2 =	vadd.f32 v3, v2;
	v3 =	vmul.f32 v43, v42  }
0x228: {  	v53 =	vor.u32 $0x1D, v1;
	v52 =	vld.idx.msk [tilespmem:v44+s24+$0x0], $0xffff  }
0x229: {  	v54 =	vld.idx.msk [tilespmem:v47+s23+$0x0], $0xffff;
	v2 =	vadd.f32 v3, v2;
	v3 =	vmul.f32 v46, v45  }
0x22a: {  	v56 =	vor.u32 $0x1E, v1;
	v55 =	vld.idx.msk [tilespmem:v47+s24+$0x0], $0xffff  }
0x22b: {  	v57 =	vld.idx.msk [tilespmem:v50+s23+$0x0], $0xffff;
	v2 =	vadd.f32 v3, v2;
	v3 =	vmul.f32 v49, v48  }
0x22c: {  	v59 =	vor.u32 $0x1F, v1;
	v58 =	vld.idx.msk [tilespmem:v50+s24+$0x0], $0xffff  }
0x22d: {  	v60 =	vld.idx.msk [tilespmem:v53+s23+$0x0], $0xffff;
	v2 =	vadd.f32 v3, v2;
	v3 =	vmul.f32 v52, v51  }
0x22e: {  	v62 =	vor.u32 $0x20, v1;
	v61 =	vld.idx.msk [tilespmem:v53+s24+$0x0], $0xffff  }
0x22f: {  	v63 =	vld.idx.msk [tilespmem:v56+s23+$0x0], $0xffff;
	v2 =	vadd.f32 v3, v2;
	v3 =	vmul.f32 v55, v54  }
0x230: {  	v17 =	vor.u32 $0x21, v1;
	v16 =	vld.idx.msk [tilespmem:v56+s24+$0x0], $0xffff  }
0x231: {  	v18 =	vld.idx.msk [tilespmem:v59+s23+$0x0], $0xffff;
	v2 =	vadd.f32 v3, v2;
	v3 =	vmul.f32 v58, v57  }
0x232: {  	v20 =	vor.u32 $0x22, v1;
	v19 =	vld.idx.msk [tilespmem:v59+s24+$0x0], $0xffff  }
0x233: {  	v21 =	vld.idx.msk [tilespmem:v62+s23+$0x0], $0xffff;
	v2 =	vadd.f32 v3, v2;
	v3 =	vmul.f32 v61, v60  }
0x234: {  	v23 =	vor.u32 $0x23, v1;
	v22 =	vld.idx.msk [tilespmem:v62+s24+$0x0], $0xffff  }
0x235: {  	v24 =	vld.idx.msk [tilespmem:v17+s23+$0x0], $0xffff;
	v2 =	vadd.f32 v3, v2;
	v3 =	vmul.f32 v16, v63  }
0x236: {  	v26 =	vor.u32 $0x24, v1;
	v25 =	vld.idx.msk [tilespmem:v17+s24+$0x0], $0xffff  }
0x237: {  	v27 =	vld.idx.msk [tilespmem:v20+s23+$0x0], $0xffff;
	v2 =	vadd.f32 v3, v2;
	v3 =	vmul.f32 v19, v18  }
0x238: {  	v29 =	vor.u32 $0x25, v1;
	v28 =	vld.idx.msk [tilespmem:v20+s24+$0x0], $0xffff  }
0x239: {  	v30 =	vld.idx.msk [tilespmem:v23+s23+$0x0], $0xffff;
	v2 =	vadd.f32 v3, v2;
	v3 =	vmul.f32 v22, v21  }
0x23a: {  	v32 =	vor.u32 $0x26, v1;
	v31 =	vld.idx.msk [tilespmem:v23+s24+$0x0], $0xffff  }
0x23b: {  	v33 =	vld.idx.msk [tilespmem:v26+s23+$0x0], $0xffff;
	v2 =	vadd.f32 v3, v2;
	v3 =	vmul.f32 v25, v24  }
0x23c: {  	v35 =	vor.u32 $0x27, v1;
	v34 =	vld.idx.msk [tilespmem:v26+s24+$0x0], $0xffff  }
0x23d: {  	v36 =	vld.idx.msk [tilespmem:v29+s23+$0x0], $0xffff;
	v2 =	vadd.f32 v3, v2;
	v3 =	vmul.f32 v28, v27  }
0x23e: {  	v38 =	vor.u32 $0x28, v1;
	v37 =	vld.idx.msk [tilespmem:v29+s24+$0x0], $0xffff  }
0x23f: {  	v39 =	vld.idx.msk [tilespmem:v32+s23+$0x0], $0xffff;
	v2 =	vadd.f32 v3, v2;
	v3 =	vmul.f32 v31, v30  }
0x240: {  	v41 =	vor.u32 $0x29, v1;
	v40 =	vld.idx.msk [tilespmem:v32+s24+$0x0], $0xffff  }
0x241: {  	v42 =	vld.idx.msk [tilespmem:v35+s23+$0x0], $0xffff;
	v2 =	vadd.f32 v3, v2;
	v3 =	vmul.f32 v34, v33  }
0x242: {  	v44 =	vor.u32 $0x2A, v1;
	v43 =	vld.idx.msk [tilespmem:v35+s24+$0x0], $0xffff  }
0x243: {  	v45 =	vld.idx.msk [tilespmem:v38+s23+$0x0], $0xffff;
	v2 =	vadd.f32 v3, v2;
	v3 =	vmul.f32 v37, v36  }
0x244: {  	v47 =	vor.u32 $0x2B, v1;
	v46 =	vld.idx.msk [tilespmem:v38+s24+$0x0], $0xffff  }
0x245: {  	v48 =	vld.idx.msk [tilespmem:v41+s23+$0x0], $0xffff;
	v2 =	vadd.f32 v3, v2;
	v3 =	vmul.f32 v40, v39  }
0x246: {  	v50 =	vor.u32 $0x2C, v1;
	v49 =	vld.idx.msk [tilespmem:v41+s24+$0x0], $0xffff  }
0x247: {  	v51 =	vld.idx.msk [tilespmem:v44+s23+$0x0], $0xffff;
	v2 =	vadd.f32 v3, v2;
	v3 =	vmul.f32 v43, v42  }
0x248: {  	v53 =	vor.u32 $0x2D, v1;
	v52 =	vld.idx.msk [tilespmem:v44+s24+$0x0], $0xffff  }
0x249: {  	v54 =	vld.idx.msk [tilespmem:v47+s23+$0x0], $0xffff;
	v2 =	vadd.f32 v3, v2;
	v3 =	vmul.f32 v46, v45  }
0x24a: {  	v56 =	vor.u32 $0x2E, v1;
	v55 =	vld.idx.msk [tilespmem:v47+s24+$0x0], $0xffff  }
0x24b: {  	v57 =	vld.idx.msk [tilespmem:v50+s23+$0x0], $0xffff;
	v2 =	vadd.f32 v3, v2;
	v3 =	vmul.f32 v49, v48  }
0x24c: {  	v59 =	vor.u32 $0x2F, v1;
	v58 =	vld.idx.msk [tilespmem:v50+s24+$0x0], $0xffff  }
0x24d: {  	v60 =	vld.idx.msk [tilespmem:v53+s23+$0x0], $0xffff;
	v2 =	vadd.f32 v3, v2;
	v3 =	vmul.f32 v52, v51  }
0x24e: {  	v62 =	vor.u32 $0x30, v1;
	v61 =	vld.idx.msk [tilespmem:v53+s24+$0x0], $0xffff  }
0x24f: {  	v63 =	vld.idx.msk [tilespmem:v56+s23+$0x0], $0xffff;
	v2 =	vadd.f32 v3, v2;
	v3 =	vmul.f32 v55, v54  }
0x250: {  	v17 =	vor.u32 $0x31, v1;
	v16 =	vld.idx.msk [tilespmem:v56+s24+$0x0], $0xffff  }
0x251: {  	v18 =	vld.idx.msk [tilespmem:v59+s23+$0x0], $0xffff;
	v2 =	vadd.f32 v3, v2;
	v3 =	vmul.f32 v58, v57  }
0x252: {  	v20 =	vor.u32 $0x32, v1;
	v19 =	vld.idx.msk [tilespmem:v59+s24+$0x0], $0xffff  }
0x253: {  	v21 =	vld.idx.msk [tilespmem:v62+s23+$0x0], $0xffff;
	v2 =	vadd.f32 v3, v2;
	v3 =	vmul.f32 v61, v60  }
0x254: {  	v23 =	vor.u32 $0x33, v1;
	v22 =	vld.idx.msk [tilespmem:v62+s24+$0x0], $0xffff  }
0x255: {  	v24 =	vld.idx.msk [tilespmem:v17+s23+$0x0], $0xffff;
	v2 =	vadd.f32 v3, v2;
	v3 =	vmul.f32 v16, v63  }
0x256: {  	v26 =	vor.u32 $0x34, v1;
	v25 =	vld.idx.msk [tilespmem:v17+s24+$0x0], $0xffff  }
0x257: {  	v27 =	vld.idx.msk [tilespmem:v20+s23+$0x0], $0xffff;
	v2 =	vadd.f32 v3, v2;
	v3 =	vmul.f32 v19, v18  }
0x258: {  	v29 =	vor.u32 $0x35, v1;
	v28 =	vld.idx.msk [tilespmem:v20+s24+$0x0], $0xffff  }
0x259: {  	v30 =	vld.idx.msk [tilespmem:v23+s23+$0x0], $0xffff;
	v2 =	vadd.f32 v3, v2;
	v3 =	vmul.f32 v22, v21  }
0x25a: {  	v32 =	vor.u32 $0x36, v1;
	v31 =	vld.idx.msk [tilespmem:v23+s24+$0x0], $0xffff  }
0x25b: {  	v33 =	vld.idx.msk [tilespmem:v26+s23+$0x0], $0xffff;
	v2 =	vadd.f32 v3, v2;
	v3 =	vmul.f32 v25, v24  }
0x25c: {  	v35 =	vor.u32 $0x37, v1;
	v34 =	vld.idx.msk [tilespmem:v26+s24+$0x0], $0xffff  }
0x25d: {  	v36 =	vld.idx.msk [tilespmem:v29+s23+$0x0], $0xffff;
	v2 =	vadd.f32 v3, v2;
	v3 =	vmul.f32 v28, v27  }
0x25e: {  	v38 =	vor.u32 $0x38, v1;
	v37 =	vld.idx.msk [tilespmem:v29+s24+$0x0], $0xffff  }
0x25f: {  	v39 =	vld.idx.msk [tilespmem:v32+s23+$0x0], $0xffff;
	v2 =	vadd.f32 v3, v2;
	v3 =	vmul.f32 v31, v30  }
0x260: {  	v41 =	vor.u32 $0x39, v1;
	v40 =	vld.idx.msk [tilespmem:v32+s24+$0x0], $0xffff  }
0x261: {  	v42 =	vld.idx.msk [tilespmem:v35+s23+$0x0], $0xffff;
	v2 =	vadd.f32 v3, v2;
	v3 =	vmul.f32 v34, v33  }
0x262: {  	v44 =	vor.u32 $0x3A, v1;
	v43 =	vld.idx.msk [tilespmem:v35+s24+$0x0], $0xffff  }
0x263: {  	v45 =	vld.idx.msk [tilespmem:v38+s23+$0x0], $0xffff;
	v2 =	vadd.f32 v3, v2;
	v3 =	vmul.f32 v37, v36  }
0x264: {  	v47 =	vor.u32 $0x3B, v1;
	v46 =	vld.idx.msk [tilespmem:v38+s24+$0x0], $0xffff  }
0x265: {  	v48 =	vld.idx.msk [tilespmem:v41+s23+$0x0], $0xffff;
	v2 =	vadd.f32 v3, v2;
	v3 =	vmul.f32 v40, v39  }
0x266: {  	v50 =	vor.u32 $0x3C, v1;
	v49 =	vld.idx.msk [tilespmem:v41+s24+$0x0], $0xffff  }
0x267: {  	v51 =	vld.idx.msk [tilespmem:v44+s23+$0x0], $0xffff;
	v2 =	vadd.f32 v3, v2;
	v3 =	vmul.f32 v43, v42  }
0x268: {  	v53 =	vor.u32 $0x3D, v1;
	v52 =	vld.idx.msk [tilespmem:v44+s24+$0x0], $0xffff  }
0x269: {  	v54 =	vld.idx.msk [tilespmem:v47+s23+$0x0], $0xffff;
	v2 =	vadd.f32 v3, v2;
	v3 =	vmul.f32 v46, v45  }
0x26a: {  	v56 =	vor.u32 $0x3E, v1;
	v55 =	vld.idx.msk [tilespmem:v47+s24+$0x0], $0xffff  }
0x26b: {  	v57 =	vld.idx.msk [tilespmem:v50+s23+$0x0], $0xffff;
	v2 =	vadd.f32 v3, v2;
	v3 =	vmul.f32 v49, v48  }
0x26c: {  	v1 =	vor.u32 $0x3F, v1;
	v58 =	vld.idx.msk [tilespmem:v50+s24+$0x0], $0xffff  }
0x26d: {  	v59 =	vld.idx.msk [tilespmem:v53+s23+$0x0], $0xffff;
	v2 =	vadd.f32 v3, v2;
	v3 =	vmul.f32 v52, v51  }
0x26e: {  	v60 =	vld.idx.msk [tilespmem:v53+s24+$0x0], $0xffff  }
0x26f: {  	v62 =	vld.idx.msk [tilespmem:v56+s24+$0x0], $0xffff;
	v2 =	vadd.f32 v3, v2;
	v3 =	vmul.f32 v55, v54  }
0x270: {  	v61 =	vld.idx.msk [tilespmem:v56+s23+$0x0], $0xffff  }
0x271: {  	v63 =	vld.idx.msk [tilespmem:v1+s23+$0x0], $0xffff;
	v2 =	vadd.f32 v3, v2;
	v3 =	vmul.f32 v58, v57  }
0x272: {  	v1 =	vld.idx.msk [tilespmem:v1+s24+$0x0], $0xffff  }
0x273: {  	v2 =	vadd.f32 v3, v2;
	v3 =	vmul.f32 v60, v59;
	_ =	sdelay $0x1  }
0x274: {  	v2 =	vadd.f32 v3, v2;
	v3 =	vmul.f32 v62, v61;
	_ =	sdelay $0x1  }
0x275: {  	v1 =	vmul.f32 v1, v63;
	v2 =	vadd.f32 v3, v2;
	_ =	sdelay $0x1  }
0x276: {  	s26 =	sadd.s32 $0x1, s26;
	v1 =	vadd.f32 v1, v2  }
0x277: {  	p0 =	sne.s32 s26, s14;
	s28 =	sadd.s32 $0x10, s28  }
.Ltmp1:
0x278: {  	[tilespmem:s28+$0x0] =	vst v1;
	(pc) =	sbr.rel @p0 .LBB2_1-.Ltmp1, $4  }
0x279: {  	[hbm4b:s13+s1] =	stream.linear.scatter [tilespmem:s25], [sflag:$0x3], $0x200, $0x38;
	[tilespmem:$0x10600] =	vst v63  }
0x27a: {  	_ =	swait.ge [sflag:s15], $0x200  }
0x27b: {  	[sflag:s15] =	ssyncset.done $0x0  }
0x27c: {  	[sflag:s15] =	ssyncadd.s32 $0xFFFFFE00  }
0x27d: {  	_ =	sfence.sel $0x180000  }
0x27e: {  	[bflag:$0x0] =	sbarrier.arrive $0xFFFF  }
0x27f: {  	_ =	strace $0x90000047  }
0x280: {  	s0 =	stileid.u32;
	[bflag:$0x2] =	sbarrier.arrive $0xFFFF  }
0x281: {  	p0 =	sne.s32 s0, $0x0;
	s0 =	rddreg [dreg:$0x4]  }
0x282: {  	s0 =	sadd.s32 @!p0 $0x100000, s0  }
0x283: {  	[sflag:s0] =	ssyncadd.tile.s32 @!p0 $0x1;
	_ =	shalt  }
.Lfunc_end2:
_tile_overlayer_lowered:
.L_overlay_start_2:
0x284: {  	(tag) =	ssettag $0x2  }
0x285: {  	s0 =	rddreg [dreg:$0x0];
	s2 =	stileid.u32  }
0x286: {  	s1 =	rddreg [dreg:$0x1];
	p0 =	sne.s32 s2, $0x0  }
0x287: {  	s3 =	rddreg [dreg:$0x2];
	[bflag:$0x3] =	sbarrier.arrive $0xFFFF;
	s2 =	simm.s32 @!p0 $0x1C03  }
0x288: {  	[timem:s3], [sflag:s2] =	dma.local @!p0 [hbm:s0], s1  }
0x289: {  	s0 =	simm.s32 @!p0 $0x3  }
0x28a: {  	_ =	swait.ge @!p0 [sflag:s0], s1  }
0x28b: {  	s1 =	ssub.s32 @!p0 $0x0, s1;
	[sflag:s0] =	ssyncset.done @!p0 $0x0  }
0x28c: {  	[sflag:s0] =	ssyncadd.s32 @!p0 s1  }
0x28d: {  	[bflag:$0x3] =	sbarrier.arrive $0xFFFF  }
0x28e: {  	_ =	shalt  }

</sc_bundles>
